<compile_context>
chip_gen: v7x
topology: tpu7x:2x2x1
jax: 0.10.2.dev20260603
libtpu: 0.0.44.dev20260713+nightly
codegen_flags: <defaults>
</compile_context>

<pallas_src>
import functools

import jax
import jax.numpy as jnp
from jax import lax
from jax.experimental import pallas as pl
from jax.experimental.pallas import tpu as pltpu
from jax.experimental.pallas import tpu_sc as plsc

NUM_TYPES = 100
NUM_STATES = 100
EMBED_DIM = 32
H1 = 64
H2 = 32
BATCH = 16384

_NC, _NS, _L = 2, 16, 16
_NW = _NC * _NS
_BPW = BATCH // _NW
_GCHUNK = 128
_NGATHER = _BPW // _GCHUNK


def _sc_gather(x0, x1, x2, table):
    mesh = plsc.VectorSubcoreMesh(core_axis_name="c", subcore_axis_name="s")

    @functools.partial(
        pl.kernel,
        mesh=mesh,
        compiler_params=pltpu.CompilerParams(use_tc_tiling_on_sc=False),
        out_type=jax.ShapeDtypeStruct((BATCH, EMBED_DIM), jnp.float32),
        scratch_types=[
            pltpu.VMEM((_BPW,), jnp.int32),
            pltpu.VMEM((_BPW,), jnp.int32),
            pltpu.VMEM((_BPW,), jnp.int32),
            pltpu.VMEM((_BPW,), jnp.int32),
            pltpu.VMEM((_BPW, EMBED_DIM), jnp.float32),
            pltpu.SemaphoreType.DMA,
        ],
    )
    def k(x0_hbm, x1_hbm, x2_hbm, table_hbm, emb_hbm, x0_v, x1_v, x2_v,
          idx_v, rows_v, sem):
        wid = lax.axis_index("s") * _NC + lax.axis_index("c")
        base = wid * _BPW
        pltpu.sync_copy(x0_hbm.at[pl.ds(base, _BPW)], x0_v)
        pltpu.sync_copy(x1_hbm.at[pl.ds(base, _BPW)], x1_v)
        pltpu.sync_copy(x2_hbm.at[pl.ds(base, _BPW)], x2_v)

        for j in range(_BPW // _L):
            sl = pl.ds(j * _L, _L)
            idx_v[sl] = (
                x0_v[sl]
                + x1_v[sl] * NUM_TYPES
                + x2_v[sl] * (NUM_TYPES * NUM_STATES)
            )

        copies = []
        for g in range(_NGATHER):
            copies.append(
                pltpu.async_copy(
                    table_hbm.at[idx_v.at[pl.ds(g * _GCHUNK, _GCHUNK)]],
                    rows_v.at[pl.ds(g * _GCHUNK, _GCHUNK), :],
                    sem,
                )
            )
        for c in copies:
            c.wait()

        pltpu.sync_copy(rows_v, emb_hbm.at[pl.ds(base, _BPW), :])

    return k(x0, x1, x2, table)


def _mlp_body(emb_ref, w1_ref, b1_ref, w2_ref, b2_ref, out_ref):
    h = jnp.dot(emb_ref[...], w1_ref[...], preferred_element_type=jnp.float32)
    h = jnp.maximum(h + b1_ref[...], 0.0)
    o = jnp.dot(h, w2_ref[...], preferred_element_type=jnp.float32)
    out_ref[...] = jnp.maximum(o + b2_ref[...], 0.0)


def _tc_mlp(emb, w1, b1, w2, b2):
    blk = 2048
    grid = (BATCH // blk,)
    return pl.pallas_call(
        _mlp_body,
        grid=grid,
        in_specs=[
            pl.BlockSpec((blk, EMBED_DIM), lambda i: (i, 0)),
            pl.BlockSpec((EMBED_DIM, H1), lambda i: (0, 0)),
            pl.BlockSpec((1, H1), lambda i: (0, 0)),
            pl.BlockSpec((H1, H2), lambda i: (0, 0)),
            pl.BlockSpec((1, H2), lambda i: (0, 0)),
        ],
        out_specs=pl.BlockSpec((blk, H2), lambda i: (i, 0)),
        out_shape=jax.ShapeDtypeStruct((BATCH, H2), jnp.float32),
    )(emb, w1, b1, w2, b2)


def kernel(x, table, W1, b1, W2, b2):
    xi = x.astype(jnp.int32)
    emb = _sc_gather(xi[:, 0], xi[:, 1], xi[:, 2], table)
    return _tc_mlp(emb, W1, b1.reshape(1, H1), W2, b2.reshape(1, H2))

# --- scband reference (transcript-rebuilt; emitter-appended) ---
"""Pipeline reference for scband-items-feature-extractor-77584289235520 (READ-ONLY COPY).

The authoritative reference and input builder live on the scoring server;
editing this copy changes nothing except your own understanding.
"""

import jax, jax.numpy as jnp
import numpy as np

NUM_TYPES = 100
NUM_STATES = 100
NUM_COLORS = 100
VOCAB = NUM_TYPES * NUM_STATES * NUM_COLORS
EMBED_DIM = 32
LAYERS = [64, 32]
BATCH = 16384


def setup_inputs(seed: int = 0) -> dict:
    key = jax.random.key(seed)
    k_x, k_tab, k_w1, k_b1, k_w2, k_b2 = jax.random.split(key, 6)
    x = jax.random.randint(k_x, (BATCH, 3), 0, 100, dtype=jnp.int64 if jax.config.jax_enable_x64 else jnp.int32)
    table = jax.random.normal(k_tab, (VOCAB, EMBED_DIM), dtype=jnp.float32)
    W1 = jax.random.normal(k_w1, (EMBED_DIM, LAYERS[0]), dtype=jnp.float32) * 0.05
    b1 = jnp.zeros((LAYERS[0],), dtype=jnp.float32)
    W2 = jax.random.normal(k_w2, (LAYERS[0], LAYERS[1]), dtype=jnp.float32) * 0.05
    b2 = jnp.zeros((LAYERS[1],), dtype=jnp.float32)
    return {"x": x, "table": table, "W1": W1, "b1": b1, "W2": W2, "b2": b2}


def reference(x, table, W1, b1, W2, b2):
    # modified_index = x0 + x1 * T + x2 * T * S
    idx = x[..., 0] + x[..., 1] * NUM_TYPES + x[..., 2] * (NUM_TYPES * NUM_STATES)
    emb = jnp.take(table, idx.astype(jnp.int32), axis=0)  # [B, EMBED_DIM]
    h = jax.nn.relu(emb @ W1 + b1)
    out = jax.nn.relu(h @ W2 + b2)
    return out

if __name__ == "__main__":
    import jax
    _d = setup_inputs()
    print(jax.jit(kernel)(*tuple(_d.values())))

</pallas_src>

<mosaic_0001>
#map = affine_map<(d0, d1) -> (0)>
#map1 = affine_map<(d0, d1) -> (0, 0)>
module attributes {stable_mosaic.version = 14 : i64} {
  func.func @k(%arg0: i32, %arg1: i32, %arg2: memref<16384xi32, #tpu.memory_space<hbm>>, %arg3: memref<16384xi32, #tpu.memory_space<hbm>>, %arg4: memref<16384xi32, #tpu.memory_space<hbm>>, %arg5: memref<1000000x32xf32, #tpu.memory_space<hbm>>, %arg6: memref<16384x32xf32, #tpu.memory_space<hbm>>, %arg7: memref<512xi32, #tpu.memory_space<vmem>>, %arg8: memref<512xi32, #tpu.memory_space<vmem>>, %arg9: memref<512xi32, #tpu.memory_space<vmem>>, %arg10: memref<512xi32, #tpu.memory_space<vmem>>, %arg11: memref<512x32xf32, #tpu.memory_space<vmem>>, %arg12: memref<!tpu.dma_semaphore, #tpu.memory_space<semaphore_mem>>) attributes {dimension_semantics = [#tpu.dimension_semantics<core_parallel>, #tpu.dimension_semantics<subcore_parallel>], iteration_bounds = array<i64: 2, 16>, scalar_prefetch = 0 : i64, scratch_operands = 6 : i64, tpu.core_type = #tpu.core_type<sc_vector_subcore>, window_params = [{transform_indices = #map}, {transform_indices = #map}, {transform_indices = #map}, {transform_indices = #map1}, {transform_indices = #map1}]} {
    %mul3A = arith.constant 2 : i32
    %mul3A_0 = arith.muli %arg1, %mul3A : i32
    %add3A = arith.addi %mul3A_0, %arg0 : i32
    %mul3A_1 = arith.constant 512 : i32
    %mul3A_2 = arith.muli %add3A, %mul3A_1 : i32
    "tpu.region"() ({
      %run_scoped3A = tpu.sem_alloc : memref<!tpu.dma_semaphore, #tpu.memory_space<semaphore_mem>>
      %dma_start3A_735 = tpu.memref_slice %arg2[%mul3A_2] : memref<16384xi32, #tpu.memory_space<hbm>> -> memref<512xi32, #tpu.memory_space<hbm>>
      %dma_start3A_736 = tpu.memref_slice %arg2[%mul3A_2] : memref<16384xi32, #tpu.memory_space<hbm>> -> memref<512xi32, #tpu.memory_space<hbm>>
      tpu.enqueue_dma source(%dma_start3A_736 : memref<512xi32, #tpu.memory_space<hbm>>) target(%arg7 : memref<512xi32, #tpu.memory_space<vmem>>) target_semaphore(%run_scoped3A : memref<!tpu.dma_semaphore, #tpu.memory_space<semaphore_mem>>)
      %dma_wait3A_737 = tpu.memref_slice %arg2[%mul3A_2] : memref<16384xi32, #tpu.memory_space<hbm>> -> memref<512xi32, #tpu.memory_space<hbm>>
      %dma_wait3A_738 = tpu.memref_slice %arg2[%mul3A_2] : memref<16384xi32, #tpu.memory_space<hbm>> -> memref<512xi32, #tpu.memory_space<hbm>>
      tpu.wait_dma2 semaphore(%run_scoped3A : memref<!tpu.dma_semaphore, #tpu.memory_space<semaphore_mem>>) src(%dma_wait3A_738 : memref<512xi32, #tpu.memory_space<hbm>>) dst(%arg7 : memref<512xi32, #tpu.memory_space<vmem>>)
      tpu.yield
    }) : () -> ()
    "tpu.region"() ({
      %run_scoped3A = tpu.sem_alloc : memref<!tpu.dma_semaphore, #tpu.memory_space<semaphore_mem>>
      %dma_start3A_735 = tpu.memref_slice %arg3[%mul3A_2] : memref<16384xi32, #tpu.memory_space<hbm>> -> memref<512xi32, #tpu.memory_space<hbm>>
      %dma_start3A_736 = tpu.memref_slice %arg3[%mul3A_2] : memref<16384xi32, #tpu.memory_space<hbm>> -> memref<512xi32, #tpu.memory_space<hbm>>
      tpu.enqueue_dma source(%dma_start3A_736 : memref<512xi32, #tpu.memory_space<hbm>>) target(%arg8 : memref<512xi32, #tpu.memory_space<vmem>>) target_semaphore(%run_scoped3A : memref<!tpu.dma_semaphore, #tpu.memory_space<semaphore_mem>>)
      %dma_wait3A_737 = tpu.memref_slice %arg3[%mul3A_2] : memref<16384xi32, #tpu.memory_space<hbm>> -> memref<512xi32, #tpu.memory_space<hbm>>
      %dma_wait3A_738 = tpu.memref_slice %arg3[%mul3A_2] : memref<16384xi32, #tpu.memory_space<hbm>> -> memref<512xi32, #tpu.memory_space<hbm>>
      tpu.wait_dma2 semaphore(%run_scoped3A : memref<!tpu.dma_semaphore, #tpu.memory_space<semaphore_mem>>) src(%dma_wait3A_738 : memref<512xi32, #tpu.memory_space<hbm>>) dst(%arg8 : memref<512xi32, #tpu.memory_space<vmem>>)
      tpu.yield
    }) : () -> ()
    "tpu.region"() ({
      %run_scoped3A = tpu.sem_alloc : memref<!tpu.dma_semaphore, #tpu.memory_space<semaphore_mem>>
      %dma_start3A_735 = tpu.memref_slice %arg4[%mul3A_2] : memref<16384xi32, #tpu.memory_space<hbm>> -> memref<512xi32, #tpu.memory_space<hbm>>
      %dma_start3A_736 = tpu.memref_slice %arg4[%mul3A_2] : memref<16384xi32, #tpu.memory_space<hbm>> -> memref<512xi32, #tpu.memory_space<hbm>>
      tpu.enqueue_dma source(%dma_start3A_736 : memref<512xi32, #tpu.memory_space<hbm>>) target(%arg9 : memref<512xi32, #tpu.memory_space<vmem>>) target_semaphore(%run_scoped3A : memref<!tpu.dma_semaphore, #tpu.memory_space<semaphore_mem>>)
      %dma_wait3A_737 = tpu.memref_slice %arg4[%mul3A_2] : memref<16384xi32, #tpu.memory_space<hbm>> -> memref<512xi32, #tpu.memory_space<hbm>>
      %dma_wait3A_738 = tpu.memref_slice %arg4[%mul3A_2] : memref<16384xi32, #tpu.memory_space<hbm>> -> memref<512xi32, #tpu.memory_space<hbm>>
      tpu.wait_dma2 semaphore(%run_scoped3A : memref<!tpu.dma_semaphore, #tpu.memory_space<semaphore_mem>>) src(%dma_wait3A_738 : memref<512xi32, #tpu.memory_space<hbm>>) dst(%arg9 : memref<512xi32, #tpu.memory_space<vmem>>)
      tpu.yield
    }) : () -> ()
    %get3A = arith.constant 0 : index
    %get3A_3 = tpu.vector_load %arg7[%get3A] {strides = array<i32>} : memref<512xi32, #tpu.memory_space<vmem>>, vector<16xi32>,
    %get3A_4 = vector.shape_cast %get3A_3 : vector<16xi32> to vector<16xi32>
    %get3A_5 = arith.constant 0 : index
    %get3A_6 = tpu.vector_load %arg8[%get3A_5] {strides = array<i32>} : memref<512xi32, #tpu.memory_space<vmem>>, vector<16xi32>,
    %get3A_7 = vector.shape_cast %get3A_6 : vector<16xi32> to vector<16xi32>
    %mul3A_8 = arith.constant 100 : i32
    %mul3A_9 = vector.broadcast %mul3A_8 : i32 to vector<16xi32>
    %mul3A_10 = arith.muli %get3A_7, %mul3A_9 : vector<16xi32>
    %add3A_11 = arith.addi %get3A_4, %mul3A_10 : vector<16xi32>
    %get3A_12 = arith.constant 0 : index
    %get3A_13 = tpu.vector_load %arg9[%get3A_12] {strides = array<i32>} : memref<512xi32, #tpu.memory_space<vmem>>, vector<16xi32>,
    %get3A_14 = vector.shape_cast %get3A_13 : vector<16xi32> to vector<16xi32>
    %mul3A_15 = arith.constant 10000 : i32
    %mul3A_16 = vector.broadcast %mul3A_15 : i32 to vector<16xi32>
    %mul3A_17 = arith.muli %get3A_14, %mul3A_16 : vector<16xi32>
    %add3A_18 = arith.addi %add3A_11, %mul3A_17 : vector<16xi32>
    %swap3A = arith.constant 0 : index
    %swap3A_19 = tpu.vector_load %arg10[%swap3A] {strides = array<i32>} : memref<512xi32, #tpu.memory_space<vmem>>, vector<16xi32>,
    %swap3A_20 = vector.shape_cast %swap3A_19 : vector<16xi32> to vector<16xi32>
    %swap3A_21 = vector.shape_cast %add3A_18 : vector<16xi32> to vector<16xi32>
    tpu.vector_store %arg10[%swap3A], %swap3A_21 {strides = array<i32>} : memref<512xi32, #tpu.memory_space<vmem>>, vector<16xi32>,
    %get3A_22 = arith.constant 16 : index
    %get3A_23 = tpu.vector_load %arg7[%get3A_22] {strides = array<i32>} : memref<512xi32, #tpu.memory_space<vmem>>, vector<16xi32>,
    %get3A_24 = vector.shape_cast %get3A_23 : vector<16xi32> to vector<16xi32>
    %get3A_25 = arith.constant 16 : index
    %get3A_26 = tpu.vector_load %arg8[%get3A_25] {strides = array<i32>} : memref<512xi32, #tpu.memory_space<vmem>>, vector<16xi32>,
    %get3A_27 = vector.shape_cast %get3A_26 : vector<16xi32> to vector<16xi32>
    %mul3A_28 = arith.constant 100 : i32
    %mul3A_29 = vector.broadcast %mul3A_28 : i32 to vector<16xi32>
    %mul3A_30 = arith.muli %get3A_27, %mul3A_29 : vector<16xi32>
    %add3A_31 = arith.addi %get3A_24, %mul3A_30 : vector<16xi32>
    %get3A_32 = arith.constant 16 : index
    %get3A_33 = tpu.vector_load %arg9[%get3A_32] {strides = array<i32>} : memref<512xi32, #tpu.memory_space<vmem>>, vector<16xi32>,
    %get3A_34 = vector.shape_cast %get3A_33 : vector<16xi32> to vector<16xi32>
    %mul3A_35 = arith.constant 10000 : i32
    %mul3A_36 = vector.broadcast %mul3A_35 : i32 to vector<16xi32>
    %mul3A_37 = arith.muli %get3A_34, %mul3A_36 : vector<16xi32>
    %add3A_38 = arith.addi %add3A_31, %mul3A_37 : vector<16xi32>
    %swap3A_39 = arith.constant 16 : index
    %swap3A_40 = tpu.vector_load %arg10[%swap3A_39] {strides = array<i32>} : memref<512xi32, #tpu.memory_space<vmem>>, vector<16xi32>,
    %swap3A_41 = vector.shape_cast %swap3A_40 : vector<16xi32> to vector<16xi32>
    %swap3A_42 = vector.shape_cast %add3A_38 : vector<16xi32> to vector<16xi32>
    tpu.vector_store %arg10[%swap3A_39], %swap3A_42 {strides = array<i32>} : memref<512xi32, #tpu.memory_space<vmem>>, vector<16xi32>,
    %get3A_43 = arith.constant 32 : index
    %get3A_44 = tpu.vector_load %arg7[%get3A_43] {strides = array<i32>} : memref<512xi32, #tpu.memory_space<vmem>>, vector<16xi32>,
    %get3A_45 = vector.shape_cast %get3A_44 : vector<16xi32> to vector<16xi32>
    %get3A_46 = arith.constant 32 : index
    %get3A_47 = tpu.vector_load %arg8[%get3A_46] {strides = array<i32>} : memref<512xi32, #tpu.memory_space<vmem>>, vector<16xi32>,
    %get3A_48 = vector.shape_cast %get3A_47 : vector<16xi32> to vector<16xi32>
    %mul3A_49 = arith.constant 100 : i32
    %mul3A_50 = vector.broadcast %mul3A_49 : i32 to vector<16xi32>
    %mul3A_51 = arith.muli %get3A_48, %mul3A_50 : vector<16xi32>
    %add3A_52 = arith.addi %get3A_45, %mul3A_51 : vector<16xi32>
    %get3A_53 = arith.constant 32 : index
    %get3A_54 = tpu.vector_load %arg9[%get3A_53] {strides = array<i32>} : memref<512xi32, #tpu.memory_space<vmem>>, vector<16xi32>,
    %get3A_55 = vector.shape_cast %get3A_54 : vector<16xi32> to vector<16xi32>
    %mul3A_56 = arith.constant 10000 : i32
    %mul3A_57 = vector.broadcast %mul3A_56 : i32 to vector<16xi32>
    %mul3A_58 = arith.muli %get3A_55, %mul3A_57 : vector<16xi32>
    %add3A_59 = arith.addi %add3A_52, %mul3A_58 : vector<16xi32>
    %swap3A_60 = arith.constant 32 : index
    %swap3A_61 = tpu.vector_load %arg10[%swap3A_60] {strides = array<i32>} : memref<512xi32, #tpu.memory_space<vmem>>, vector<16xi32>,
    %swap3A_62 = vector.shape_cast %swap3A_61 : vector<16xi32> to vector<16xi32>
    %swap3A_63 = vector.shape_cast %add3A_59 : vector<16xi32> to vector<16xi32>
    tpu.vector_store %arg10[%swap3A_60], %swap3A_63 {strides = array<i32>} : memref<512xi32, #tpu.memory_space<vmem>>, vector<16xi32>,
    %get3A_64 = arith.constant 48 : index
    %get3A_65 = tpu.vector_load %arg7[%get3A_64] {strides = array<i32>} : memref<512xi32, #tpu.memory_space<vmem>>, vector<16xi32>,
    %get3A_66 = vector.shape_cast %get3A_65 : vector<16xi32> to vector<16xi32>
    %get3A_67 = arith.constant 48 : index
    %get3A_68 = tpu.vector_load %arg8[%get3A_67] {strides = array<i32>} : memref<512xi32, #tpu.memory_space<vmem>>, vector<16xi32>,
    %get3A_69 = vector.shape_cast %get3A_68 : vector<16xi32> to vector<16xi32>
    %mul3A_70 = arith.constant 100 : i32
    %mul3A_71 = vector.broadcast %mul3A_70 : i32 to vector<16xi32>
    %mul3A_72 = arith.muli %get3A_69, %mul3A_71 : vector<16xi32>
    %add3A_73 = arith.addi %get3A_66, %mul3A_72 : vector<16xi32>
    %get3A_74 = arith.constant 48 : index
    %get3A_75 = tpu.vector_load %arg9[%get3A_74] {strides = array<i32>} : memref<512xi32, #tpu.memory_space<vmem>>, vector<16xi32>,
    %get3A_76 = vector.shape_cast %get3A_75 : vector<16xi32> to vector<16xi32>
    %mul3A_77 = arith.constant 10000 : i32
    %mul3A_78 = vector.broadcast %mul3A_77 : i32 to vector<16xi32>
    %mul3A_79 = arith.muli %get3A_76, %mul3A_78 : vector<16xi32>
    %add3A_80 = arith.addi %add3A_73, %mul3A_79 : vector<16xi32>
    %swap3A_81 = arith.constant 48 : index
    %swap3A_82 = tpu.vector_load %arg10[%swap3A_81] {strides = array<i32>} : memref<512xi32, #tpu.memory_space<vmem>>, vector<16xi32>,
    %swap3A_83 = vector.shape_cast %swap3A_82 : vector<16xi32> to vector<16xi32>
    %swap3A_84 = vector.shape_cast %add3A_80 : vector<16xi32> to vector<16xi32>
    tpu.vector_store %arg10[%swap3A_81], %swap3A_84 {strides = array<i32>} : memref<512xi32, #tpu.memory_space<vmem>>, vector<16xi32>,
    %get3A_85 = arith.constant 64 : index
    %get3A_86 = tpu.vector_load %arg7[%get3A_85] {strides = array<i32>} : memref<512xi32, #tpu.memory_space<vmem>>, vector<16xi32>,
    %get3A_87 = vector.shape_cast %get3A_86 : vector<16xi32> to vector<16xi32>
    %get3A_88 = arith.constant 64 : index
    %get3A_89 = tpu.vector_load %arg8[%get3A_88] {strides = array<i32>} : memref<512xi32, #tpu.memory_space<vmem>>, vector<16xi32>,
    %get3A_90 = vector.shape_cast %get3A_89 : vector<16xi32> to vector<16xi32>
    %mul3A_91 = arith.constant 100 : i32
    %mul3A_92 = vector.broadcast %mul3A_91 : i32 to vector<16xi32>
    %mul3A_93 = arith.muli %get3A_90, %mul3A_92 : vector<16xi32>
    %add3A_94 = arith.addi %get3A_87, %mul3A_93 : vector<16xi32>
    %get3A_95 = arith.constant 64 : index
    %get3A_96 = tpu.vector_load %arg9[%get3A_95] {strides = array<i32>} : memref<512xi32, #tpu.memory_space<vmem>>, vector<16xi32>,
    %get3A_97 = vector.shape_cast %get3A_96 : vector<16xi32> to vector<16xi32>
    %mul3A_98 = arith.constant 10000 : i32
    %mul3A_99 = vector.broadcast %mul3A_98 : i32 to vector<16xi32>
    %mul3A_100 = arith.muli %get3A_97, %mul3A_99 : vector<16xi32>
    %add3A_101 = arith.addi %add3A_94, %mul3A_100 : vector<16xi32>
    %swap3A_102 = arith.constant 64 : index
    %swap3A_103 = tpu.vector_load %arg10[%swap3A_102] {strides = array<i32>} : memref<512xi32, #tpu.memory_space<vmem>>, vector<16xi32>,
    %swap3A_104 = vector.shape_cast %swap3A_103 : vector<16xi32> to vector<16xi32>
    %swap3A_105 = vector.shape_cast %add3A_101 : vector<16xi32> to vector<16xi32>
    tpu.vector_store %arg10[%swap3A_102], %swap3A_105 {strides = array<i32>} : memref<512xi32, #tpu.memory_space<vmem>>, vector<16xi32>,
    %get3A_106 = arith.constant 80 : index
    %get3A_107 = tpu.vector_load %arg7[%get3A_106] {strides = array<i32>} : memref<512xi32, #tpu.memory_space<vmem>>, vector<16xi32>,
    %get3A_108 = vector.shape_cast %get3A_107 : vector<16xi32> to vector<16xi32>
    %get3A_109 = arith.constant 80 : index
    %get3A_110 = tpu.vector_load %arg8[%get3A_109] {strides = array<i32>} : memref<512xi32, #tpu.memory_space<vmem>>, vector<16xi32>,
    %get3A_111 = vector.shape_cast %get3A_110 : vector<16xi32> to vector<16xi32>
    %mul3A_112 = arith.constant 100 : i32
    %mul3A_113 = vector.broadcast %mul3A_112 : i32 to vector<16xi32>
    %mul3A_114 = arith.muli %get3A_111, %mul3A_113 : vector<16xi32>
    %add3A_115 = arith.addi %get3A_108, %mul3A_114 : vector<16xi32>
    %get3A_116 = arith.constant 80 : index
    %get3A_117 = tpu.vector_load %arg9[%get3A_116] {strides = array<i32>} : memref<512xi32, #tpu.memory_space<vmem>>, vector<16xi32>,
    %get3A_118 = vector.shape_cast %get3A_117 : vector<16xi32> to vector<16xi32>
    %mul3A_119 = arith.constant 10000 : i32
    %mul3A_120 = vector.broadcast %mul3A_119 : i32 to vector<16xi32>
    %mul3A_121 = arith.muli %get3A_118, %mul3A_120 : vector<16xi32>
    %add3A_122 = arith.addi %add3A_115, %mul3A_121 : vector<16xi32>
    %swap3A_123 = arith.constant 80 : index
    %swap3A_124 = tpu.vector_load %arg10[%swap3A_123] {strides = array<i32>} : memref<512xi32, #tpu.memory_space<vmem>>, vector<16xi32>,
    %swap3A_125 = vector.shape_cast %swap3A_124 : vector<16xi32> to vector<16xi32>
    %swap3A_126 = vector.shape_cast %add3A_122 : vector<16xi32> to vector<16xi32>
    tpu.vector_store %arg10[%swap3A_123], %swap3A_126 {strides = array<i32>} : memref<512xi32, #tpu.memory_space<vmem>>, vector<16xi32>,
    %get3A_127 = arith.constant 96 : index
    %get3A_128 = tpu.vector_load %arg7[%get3A_127] {strides = array<i32>} : memref<512xi32, #tpu.memory_space<vmem>>, vector<16xi32>,
    %get3A_129 = vector.shape_cast %get3A_128 : vector<16xi32> to vector<16xi32>
    %get3A_130 = arith.constant 96 : index
    %get3A_131 = tpu.vector_load %arg8[%get3A_130] {strides = array<i32>} : memref<512xi32, #tpu.memory_space<vmem>>, vector<16xi32>,
    %get3A_132 = vector.shape_cast %get3A_131 : vector<16xi32> to vector<16xi32>
    %mul3A_133 = arith.constant 100 : i32
    %mul3A_134 = vector.broadcast %mul3A_133 : i32 to vector<16xi32>
    %mul3A_135 = arith.muli %get3A_132, %mul3A_134 : vector<16xi32>
    %add3A_136 = arith.addi %get3A_129, %mul3A_135 : vector<16xi32>
    %get3A_137 = arith.constant 96 : index
    %get3A_138 = tpu.vector_load %arg9[%get3A_137] {strides = array<i32>} : memref<512xi32, #tpu.memory_space<vmem>>, vector<16xi32>,
    %get3A_139 = vector.shape_cast %get3A_138 : vector<16xi32> to vector<16xi32>
    %mul3A_140 = arith.constant 10000 : i32
    %mul3A_141 = vector.broadcast %mul3A_140 : i32 to vector<16xi32>
    %mul3A_142 = arith.muli %get3A_139, %mul3A_141 : vector<16xi32>
    %add3A_143 = arith.addi %add3A_136, %mul3A_142 : vector<16xi32>
    %swap3A_144 = arith.constant 96 : index
    %swap3A_145 = tpu.vector_load %arg10[%swap3A_144] {strides = array<i32>} : memref<512xi32, #tpu.memory_space<vmem>>, vector<16xi32>,
    %swap3A_146 = vector.shape_cast %swap3A_145 : vector<16xi32> to vector<16xi32>
    %swap3A_147 = vector.shape_cast %add3A_143 : vector<16xi32> to vector<16xi32>
    tpu.vector_store %arg10[%swap3A_144], %swap3A_147 {strides = array<i32>} : memref<512xi32, #tpu.memory_space<vmem>>, vector<16xi32>,
    %get3A_148 = arith.constant 112 : index
    %get3A_149 = tpu.vector_load %arg7[%get3A_148] {strides = array<i32>} : memref<512xi32, #tpu.memory_space<vmem>>, vector<16xi32>,
    %get3A_150 = vector.shape_cast %get3A_149 : vector<16xi32> to vector<16xi32>
    %get3A_151 = arith.constant 112 : index
    %get3A_152 = tpu.vector_load %arg8[%get3A_151] {strides = array<i32>} : memref<512xi32, #tpu.memory_space<vmem>>, vector<16xi32>,
    %get3A_153 = vector.shape_cast %get3A_152 : vector<16xi32> to vector<16xi32>
    %mul3A_154 = arith.constant 100 : i32
    %mul3A_155 = vector.broadcast %mul3A_154 : i32 to vector<16xi32>
    %mul3A_156 = arith.muli %get3A_153, %mul3A_155 : vector<16xi32>
    %add3A_157 = arith.addi %get3A_150, %mul3A_156 : vector<16xi32>
    %get3A_158 = arith.constant 112 : index
    %get3A_159 = tpu.vector_load %arg9[%get3A_158] {strides = array<i32>} : memref<512xi32, #tpu.memory_space<vmem>>, vector<16xi32>,
    %get3A_160 = vector.shape_cast %get3A_159 : vector<16xi32> to vector<16xi32>
    %mul3A_161 = arith.constant 10000 : i32
    %mul3A_162 = vector.broadcast %mul3A_161 : i32 to vector<16xi32>
    %mul3A_163 = arith.muli %get3A_160, %mul3A_162 : vector<16xi32>
    %add3A_164 = arith.addi %add3A_157, %mul3A_163 : vector<16xi32>
    %swap3A_165 = arith.constant 112 : index
    %swap3A_166 = tpu.vector_load %arg10[%swap3A_165] {strides = array<i32>} : memref<512xi32, #tpu.memory_space<vmem>>, vector<16xi32>,
    %swap3A_167 = vector.shape_cast %swap3A_166 : vector<16xi32> to vector<16xi32>
    %swap3A_168 = vector.shape_cast %add3A_164 : vector<16xi32> to vector<16xi32>
    tpu.vector_store %arg10[%swap3A_165], %swap3A_168 {strides = array<i32>} : memref<512xi32, #tpu.memory_space<vmem>>, vector<16xi32>,
    %get3A_169 = arith.constant 128 : index
    %get3A_170 = tpu.vector_load %arg7[%get3A_169] {strides = array<i32>} : memref<512xi32, #tpu.memory_space<vmem>>, vector<16xi32>,
    %get3A_171 = vector.shape_cast %get3A_170 : vector<16xi32> to vector<16xi32>
    %get3A_172 = arith.constant 128 : index
    %get3A_173 = tpu.vector_load %arg8[%get3A_172] {strides = array<i32>} : memref<512xi32, #tpu.memory_space<vmem>>, vector<16xi32>,
    %get3A_174 = vector.shape_cast %get3A_173 : vector<16xi32> to vector<16xi32>
    %mul3A_175 = arith.constant 100 : i32
    %mul3A_176 = vector.broadcast %mul3A_175 : i32 to vector<16xi32>
    %mul3A_177 = arith.muli %get3A_174, %mul3A_176 : vector<16xi32>
    %add3A_178 = arith.addi %get3A_171, %mul3A_177 : vector<16xi32>
    %get3A_179 = arith.constant 128 : index
    %get3A_180 = tpu.vector_load %arg9[%get3A_179] {strides = array<i32>} : memref<512xi32, #tpu.memory_space<vmem>>, vector<16xi32>,
    %get3A_181 = vector.shape_cast %get3A_180 : vector<16xi32> to vector<16xi32>
    %mul3A_182 = arith.constant 10000 : i32
    %mul3A_183 = vector.broadcast %mul3A_182 : i32 to vector<16xi32>
    %mul3A_184 = arith.muli %get3A_181, %mul3A_183 : vector<16xi32>
    %add3A_185 = arith.addi %add3A_178, %mul3A_184 : vector<16xi32>
    %swap3A_186 = arith.constant 128 : index
    %swap3A_187 = tpu.vector_load %arg10[%swap3A_186] {strides = array<i32>} : memref<512xi32, #tpu.memory_space<vmem>>, vector<16xi32>,
    %swap3A_188 = vector.shape_cast %swap3A_187 : vector<16xi32> to vector<16xi32>
    %swap3A_189 = vector.shape_cast %add3A_185 : vector<16xi32> to vector<16xi32>
    tpu.vector_store %arg10[%swap3A_186], %swap3A_189 {strides = array<i32>} : memref<512xi32, #tpu.memory_space<vmem>>, vector<16xi32>,
    %get3A_190 = arith.constant 144 : index
    %get3A_191 = tpu.vector_load %arg7[%get3A_190] {strides = array<i32>} : memref<512xi32, #tpu.memory_space<vmem>>, vector<16xi32>,
    %get3A_192 = vector.shape_cast %get3A_191 : vector<16xi32> to vector<16xi32>
    %get3A_193 = arith.constant 144 : index
    %get3A_194 = tpu.vector_load %arg8[%get3A_193] {strides = array<i32>} : memref<512xi32, #tpu.memory_space<vmem>>, vector<16xi32>,
    %get3A_195 = vector.shape_cast %get3A_194 : vector<16xi32> to vector<16xi32>
    %mul3A_196 = arith.constant 100 : i32
    %mul3A_197 = vector.broadcast %mul3A_196 : i32 to vector<16xi32>
    %mul3A_198 = arith.muli %get3A_195, %mul3A_197 : vector<16xi32>
    %add3A_199 = arith.addi %get3A_192, %mul3A_198 : vector<16xi32>
    %get3A_200 = arith.constant 144 : index
    %get3A_201 = tpu.vector_load %arg9[%get3A_200] {strides = array<i32>} : memref<512xi32, #tpu.memory_space<vmem>>, vector<16xi32>,
    %get3A_202 = vector.shape_cast %get3A_201 : vector<16xi32> to vector<16xi32>
    %mul3A_203 = arith.constant 10000 : i32
    %mul3A_204 = vector.broadcast %mul3A_203 : i32 to vector<16xi32>
    %mul3A_205 = arith.muli %get3A_202, %mul3A_204 : vector<16xi32>
    %add3A_206 = arith.addi %add3A_199, %mul3A_205 : vector<16xi32>
    %swap3A_207 = arith.constant 144 : index
    %swap3A_208 = tpu.vector_load %arg10[%swap3A_207] {strides = array<i32>} : memref<512xi32, #tpu.memory_space<vmem>>, vector<16xi32>,
    %swap3A_209 = vector.shape_cast %swap3A_208 : vector<16xi32> to vector<16xi32>
    %swap3A_210 = vector.shape_cast %add3A_206 : vector<16xi32> to vector<16xi32>
    tpu.vector_store %arg10[%swap3A_207], %swap3A_210 {strides = array<i32>} : memref<512xi32, #tpu.memory_space<vmem>>, vector<16xi32>,
    %get3A_211 = arith.constant 160 : index
    %get3A_212 = tpu.vector_load %arg7[%get3A_211] {strides = array<i32>} : memref<512xi32, #tpu.memory_space<vmem>>, vector<16xi32>,
    %get3A_213 = vector.shape_cast %get3A_212 : vector<16xi32> to vector<16xi32>
    %get3A_214 = arith.constant 160 : index
    %get3A_215 = tpu.vector_load %arg8[%get3A_214] {strides = array<i32>} : memref<512xi32, #tpu.memory_space<vmem>>, vector<16xi32>,
    %get3A_216 = vector.shape_cast %get3A_215 : vector<16xi32> to vector<16xi32>
    %mul3A_217 = arith.constant 100 : i32
    %mul3A_218 = vector.broadcast %mul3A_217 : i32 to vector<16xi32>
    %mul3A_219 = arith.muli %get3A_216, %mul3A_218 : vector<16xi32>
    %add3A_220 = arith.addi %get3A_213, %mul3A_219 : vector<16xi32>
    %get3A_221 = arith.constant 160 : index
    %get3A_222 = tpu.vector_load %arg9[%get3A_221] {strides = array<i32>} : memref<512xi32, #tpu.memory_space<vmem>>, vector<16xi32>,
    %get3A_223 = vector.shape_cast %get3A_222 : vector<16xi32> to vector<16xi32>
    %mul3A_224 = arith.constant 10000 : i32
    %mul3A_225 = vector.broadcast %mul3A_224 : i32 to vector<16xi32>
    %mul3A_226 = arith.muli %get3A_223, %mul3A_225 : vector<16xi32>
    %add3A_227 = arith.addi %add3A_220, %mul3A_226 : vector<16xi32>
    %swap3A_228 = arith.constant 160 : index
    %swap3A_229 = tpu.vector_load %arg10[%swap3A_228] {strides = array<i32>} : memref<512xi32, #tpu.memory_space<vmem>>, vector<16xi32>,
    %swap3A_230 = vector.shape_cast %swap3A_229 : vector<16xi32> to vector<16xi32>
    %swap3A_231 = vector.shape_cast %add3A_227 : vector<16xi32> to vector<16xi32>
    tpu.vector_store %arg10[%swap3A_228], %swap3A_231 {strides = array<i32>} : memref<512xi32, #tpu.memory_space<vmem>>, vector<16xi32>,
    %get3A_232 = arith.constant 176 : index
    %get3A_233 = tpu.vector_load %arg7[%get3A_232] {strides = array<i32>} : memref<512xi32, #tpu.memory_space<vmem>>, vector<16xi32>,
    %get3A_234 = vector.shape_cast %get3A_233 : vector<16xi32> to vector<16xi32>
    %get3A_235 = arith.constant 176 : index
    %get3A_236 = tpu.vector_load %arg8[%get3A_235] {strides = array<i32>} : memref<512xi32, #tpu.memory_space<vmem>>, vector<16xi32>,
    %get3A_237 = vector.shape_cast %get3A_236 : vector<16xi32> to vector<16xi32>
    %mul3A_238 = arith.constant 100 : i32
    %mul3A_239 = vector.broadcast %mul3A_238 : i32 to vector<16xi32>
    %mul3A_240 = arith.muli %get3A_237, %mul3A_239 : vector<16xi32>
    %add3A_241 = arith.addi %get3A_234, %mul3A_240 : vector<16xi32>
    %get3A_242 = arith.constant 176 : index
    %get3A_243 = tpu.vector_load %arg9[%get3A_242] {strides = array<i32>} : memref<512xi32, #tpu.memory_space<vmem>>, vector<16xi32>,
    %get3A_244 = vector.shape_cast %get3A_243 : vector<16xi32> to vector<16xi32>
    %mul3A_245 = arith.constant 10000 : i32
    %mul3A_246 = vector.broadcast %mul3A_245 : i32 to vector<16xi32>
    %mul3A_247 = arith.muli %get3A_244, %mul3A_246 : vector<16xi32>
    %add3A_248 = arith.addi %add3A_241, %mul3A_247 : vector<16xi32>
    %swap3A_249 = arith.constant 176 : index
    %swap3A_250 = tpu.vector_load %arg10[%swap3A_249] {strides = array<i32>} : memref<512xi32, #tpu.memory_space<vmem>>, vector<16xi32>,
    %swap3A_251 = vector.shape_cast %swap3A_250 : vector<16xi32> to vector<16xi32>
    %swap3A_252 = vector.shape_cast %add3A_248 : vector<16xi32> to vector<16xi32>
    tpu.vector_store %arg10[%swap3A_249], %swap3A_252 {strides = array<i32>} : memref<512xi32, #tpu.memory_space<vmem>>, vector<16xi32>,
    %get3A_253 = arith.constant 192 : index
    %get3A_254 = tpu.vector_load %arg7[%get3A_253] {strides = array<i32>} : memref<512xi32, #tpu.memory_space<vmem>>, vector<16xi32>,
    %get3A_255 = vector.shape_cast %get3A_254 : vector<16xi32> to vector<16xi32>
    %get3A_256 = arith.constant 192 : index
    %get3A_257 = tpu.vector_load %arg8[%get3A_256] {strides = array<i32>} : memref<512xi32, #tpu.memory_space<vmem>>, vector<16xi32>,
    %get3A_258 = vector.shape_cast %get3A_257 : vector<16xi32> to vector<16xi32>
    %mul3A_259 = arith.constant 100 : i32
    %mul3A_260 = vector.broadcast %mul3A_259 : i32 to vector<16xi32>
    %mul3A_261 = arith.muli %get3A_258, %mul3A_260 : vector<16xi32>
    %add3A_262 = arith.addi %get3A_255, %mul3A_261 : vector<16xi32>
    %get3A_263 = arith.constant 192 : index
    %get3A_264 = tpu.vector_load %arg9[%get3A_263] {strides = array<i32>} : memref<512xi32, #tpu.memory_space<vmem>>, vector<16xi32>,
    %get3A_265 = vector.shape_cast %get3A_264 : vector<16xi32> to vector<16xi32>
    %mul3A_266 = arith.constant 10000 : i32
    %mul3A_267 = vector.broadcast %mul3A_266 : i32 to vector<16xi32>
    %mul3A_268 = arith.muli %get3A_265, %mul3A_267 : vector<16xi32>
    %add3A_269 = arith.addi %add3A_262, %mul3A_268 : vector<16xi32>
    %swap3A_270 = arith.constant 192 : index
    %swap3A_271 = tpu.vector_load %arg10[%swap3A_270] {strides = array<i32>} : memref<512xi32, #tpu.memory_space<vmem>>, vector<16xi32>,
    %swap3A_272 = vector.shape_cast %swap3A_271 : vector<16xi32> to vector<16xi32>
    %swap3A_273 = vector.shape_cast %add3A_269 : vector<16xi32> to vector<16xi32>
    tpu.vector_store %arg10[%swap3A_270], %swap3A_273 {strides = array<i32>} : memref<512xi32, #tpu.memory_space<vmem>>, vector<16xi32>,
    %get3A_274 = arith.constant 208 : index
    %get3A_275 = tpu.vector_load %arg7[%get3A_274] {strides = array<i32>} : memref<512xi32, #tpu.memory_space<vmem>>, vector<16xi32>,
    %get3A_276 = vector.shape_cast %get3A_275 : vector<16xi32> to vector<16xi32>
    %get3A_277 = arith.constant 208 : index
    %get3A_278 = tpu.vector_load %arg8[%get3A_277] {strides = array<i32>} : memref<512xi32, #tpu.memory_space<vmem>>, vector<16xi32>,
    %get3A_279 = vector.shape_cast %get3A_278 : vector<16xi32> to vector<16xi32>
    %mul3A_280 = arith.constant 100 : i32
    %mul3A_281 = vector.broadcast %mul3A_280 : i32 to vector<16xi32>
    %mul3A_282 = arith.muli %get3A_279, %mul3A_281 : vector<16xi32>
    %add3A_283 = arith.addi %get3A_276, %mul3A_282 : vector<16xi32>
    %get3A_284 = arith.constant 208 : index
    %get3A_285 = tpu.vector_load %arg9[%get3A_284] {strides = array<i32>} : memref<512xi32, #tpu.memory_space<vmem>>, vector<16xi32>,
    %get3A_286 = vector.shape_cast %get3A_285 : vector<16xi32> to vector<16xi32>
    %mul3A_287 = arith.constant 10000 : i32
    %mul3A_288 = vector.broadcast %mul3A_287 : i32 to vector<16xi32>
    %mul3A_289 = arith.muli %get3A_286, %mul3A_288 : vector<16xi32>
    %add3A_290 = arith.addi %add3A_283, %mul3A_289 : vector<16xi32>
    %swap3A_291 = arith.constant 208 : index
    %swap3A_292 = tpu.vector_load %arg10[%swap3A_291] {strides = array<i32>} : memref<512xi32, #tpu.memory_space<vmem>>, vector<16xi32>,
    %swap3A_293 = vector.shape_cast %swap3A_292 : vector<16xi32> to vector<16xi32>
    %swap3A_294 = vector.shape_cast %add3A_290 : vector<16xi32> to vector<16xi32>
    tpu.vector_store %arg10[%swap3A_291], %swap3A_294 {strides = array<i32>} : memref<512xi32, #tpu.memory_space<vmem>>, vector<16xi32>,
    %get3A_295 = arith.constant 224 : index
    %get3A_296 = tpu.vector_load %arg7[%get3A_295] {strides = array<i32>} : memref<512xi32, #tpu.memory_space<vmem>>, vector<16xi32>,
    %get3A_297 = vector.shape_cast %get3A_296 : vector<16xi32> to vector<16xi32>
    %get3A_298 = arith.constant 224 : index
    %get3A_299 = tpu.vector_load %arg8[%get3A_298] {strides = array<i32>} : memref<512xi32, #tpu.memory_space<vmem>>, vector<16xi32>,
    %get3A_300 = vector.shape_cast %get3A_299 : vector<16xi32> to vector<16xi32>
    %mul3A_301 = arith.constant 100 : i32
    %mul3A_302 = vector.broadcast %mul3A_301 : i32 to vector<16xi32>
    %mul3A_303 = arith.muli %get3A_300, %mul3A_302 : vector<16xi32>
    %add3A_304 = arith.addi %get3A_297, %mul3A_303 : vector<16xi32>
    %get3A_305 = arith.constant 224 : index
    %get3A_306 = tpu.vector_load %arg9[%get3A_305] {strides = array<i32>} : memref<512xi32, #tpu.memory_space<vmem>>, vector<16xi32>,
    %get3A_307 = vector.shape_cast %get3A_306 : vector<16xi32> to vector<16xi32>
    %mul3A_308 = arith.constant 10000 : i32
    %mul3A_309 = vector.broadcast %mul3A_308 : i32 to vector<16xi32>
    %mul3A_310 = arith.muli %get3A_307, %mul3A_309 : vector<16xi32>
    %add3A_311 = arith.addi %add3A_304, %mul3A_310 : vector<16xi32>
    %swap3A_312 = arith.constant 224 : index
    %swap3A_313 = tpu.vector_load %arg10[%swap3A_312] {strides = array<i32>} : memref<512xi32, #tpu.memory_space<vmem>>, vector<16xi32>,
    %swap3A_314 = vector.shape_cast %swap3A_313 : vector<16xi32> to vector<16xi32>
    %swap3A_315 = vector.shape_cast %add3A_311 : vector<16xi32> to vector<16xi32>
    tpu.vector_store %arg10[%swap3A_312], %swap3A_315 {strides = array<i32>} : memref<512xi32, #tpu.memory_space<vmem>>, vector<16xi32>,
    %get3A_316 = arith.constant 240 : index
    %get3A_317 = tpu.vector_load %arg7[%get3A_316] {strides = array<i32>} : memref<512xi32, #tpu.memory_space<vmem>>, vector<16xi32>,
    %get3A_318 = vector.shape_cast %get3A_317 : vector<16xi32> to vector<16xi32>
    %get3A_319 = arith.constant 240 : index
    %get3A_320 = tpu.vector_load %arg8[%get3A_319] {strides = array<i32>} : memref<512xi32, #tpu.memory_space<vmem>>, vector<16xi32>,
    %get3A_321 = vector.shape_cast %get3A_320 : vector<16xi32> to vector<16xi32>
    %mul3A_322 = arith.constant 100 : i32
    %mul3A_323 = vector.broadcast %mul3A_322 : i32 to vector<16xi32>
    %mul3A_324 = arith.muli %get3A_321, %mul3A_323 : vector<16xi32>
    %add3A_325 = arith.addi %get3A_318, %mul3A_324 : vector<16xi32>
    %get3A_326 = arith.constant 240 : index
    %get3A_327 = tpu.vector_load %arg9[%get3A_326] {strides = array<i32>} : memref<512xi32, #tpu.memory_space<vmem>>, vector<16xi32>,
    %get3A_328 = vector.shape_cast %get3A_327 : vector<16xi32> to vector<16xi32>
    %mul3A_329 = arith.constant 10000 : i32
    %mul3A_330 = vector.broadcast %mul3A_329 : i32 to vector<16xi32>
    %mul3A_331 = arith.muli %get3A_328, %mul3A_330 : vector<16xi32>
    %add3A_332 = arith.addi %add3A_325, %mul3A_331 : vector<16xi32>
    %swap3A_333 = arith.constant 240 : index
    %swap3A_334 = tpu.vector_load %arg10[%swap3A_333] {strides = array<i32>} : memref<512xi32, #tpu.memory_space<vmem>>, vector<16xi32>,
    %swap3A_335 = vector.shape_cast %swap3A_334 : vector<16xi32> to vector<16xi32>
    %swap3A_336 = vector.shape_cast %add3A_332 : vector<16xi32> to vector<16xi32>
    tpu.vector_store %arg10[%swap3A_333], %swap3A_336 {strides = array<i32>} : memref<512xi32, #tpu.memory_space<vmem>>, vector<16xi32>,
    %get3A_337 = arith.constant 256 : index
    %get3A_338 = tpu.vector_load %arg7[%get3A_337] {strides = array<i32>} : memref<512xi32, #tpu.memory_space<vmem>>, vector<16xi32>,
    %get3A_339 = vector.shape_cast %get3A_338 : vector<16xi32> to vector<16xi32>
    %get3A_340 = arith.constant 256 : index
    %get3A_341 = tpu.vector_load %arg8[%get3A_340] {strides = array<i32>} : memref<512xi32, #tpu.memory_space<vmem>>, vector<16xi32>,
    %get3A_342 = vector.shape_cast %get3A_341 : vector<16xi32> to vector<16xi32>
    %mul3A_343 = arith.constant 100 : i32
    %mul3A_344 = vector.broadcast %mul3A_343 : i32 to vector<16xi32>
    %mul3A_345 = arith.muli %get3A_342, %mul3A_344 : vector<16xi32>
    %add3A_346 = arith.addi %get3A_339, %mul3A_345 : vector<16xi32>
    %get3A_347 = arith.constant 256 : index
    %get3A_348 = tpu.vector_load %arg9[%get3A_347] {strides = array<i32>} : memref<512xi32, #tpu.memory_space<vmem>>, vector<16xi32>,
    %get3A_349 = vector.shape_cast %get3A_348 : vector<16xi32> to vector<16xi32>
    %mul3A_350 = arith.constant 10000 : i32
    %mul3A_351 = vector.broadcast %mul3A_350 : i32 to vector<16xi32>
    %mul3A_352 = arith.muli %get3A_349, %mul3A_351 : vector<16xi32>
    %add3A_353 = arith.addi %add3A_346, %mul3A_352 : vector<16xi32>
    %swap3A_354 = arith.constant 256 : index
    %swap3A_355 = tpu.vector_load %arg10[%swap3A_354] {strides = array<i32>} : memref<512xi32, #tpu.memory_space<vmem>>, vector<16xi32>,
    %swap3A_356 = vector.shape_cast %swap3A_355 : vector<16xi32> to vector<16xi32>
    %swap3A_357 = vector.shape_cast %add3A_353 : vector<16xi32> to vector<16xi32>
    tpu.vector_store %arg10[%swap3A_354], %swap3A_357 {strides = array<i32>} : memref<512xi32, #tpu.memory_space<vmem>>, vector<16xi32>,
    %get3A_358 = arith.constant 272 : index
    %get3A_359 = tpu.vector_load %arg7[%get3A_358] {strides = array<i32>} : memref<512xi32, #tpu.memory_space<vmem>>, vector<16xi32>,
    %get3A_360 = vector.shape_cast %get3A_359 : vector<16xi32> to vector<16xi32>
    %get3A_361 = arith.constant 272 : index
    %get3A_362 = tpu.vector_load %arg8[%get3A_361] {strides = array<i32>} : memref<512xi32, #tpu.memory_space<vmem>>, vector<16xi32>,
    %get3A_363 = vector.shape_cast %get3A_362 : vector<16xi32> to vector<16xi32>
    %mul3A_364 = arith.constant 100 : i32
    %mul3A_365 = vector.broadcast %mul3A_364 : i32 to vector<16xi32>
    %mul3A_366 = arith.muli %get3A_363, %mul3A_365 : vector<16xi32>
    %add3A_367 = arith.addi %get3A_360, %mul3A_366 : vector<16xi32>
    %get3A_368 = arith.constant 272 : index
    %get3A_369 = tpu.vector_load %arg9[%get3A_368] {strides = array<i32>} : memref<512xi32, #tpu.memory_space<vmem>>, vector<16xi32>,
    %get3A_370 = vector.shape_cast %get3A_369 : vector<16xi32> to vector<16xi32>
    %mul3A_371 = arith.constant 10000 : i32
    %mul3A_372 = vector.broadcast %mul3A_371 : i32 to vector<16xi32>
    %mul3A_373 = arith.muli %get3A_370, %mul3A_372 : vector<16xi32>
    %add3A_374 = arith.addi %add3A_367, %mul3A_373 : vector<16xi32>
    %swap3A_375 = arith.constant 272 : index
    %swap3A_376 = tpu.vector_load %arg10[%swap3A_375] {strides = array<i32>} : memref<512xi32, #tpu.memory_space<vmem>>, vector<16xi32>,
    %swap3A_377 = vector.shape_cast %swap3A_376 : vector<16xi32> to vector<16xi32>
    %swap3A_378 = vector.shape_cast %add3A_374 : vector<16xi32> to vector<16xi32>
    tpu.vector_store %arg10[%swap3A_375], %swap3A_378 {strides = array<i32>} : memref<512xi32, #tpu.memory_space<vmem>>, vector<16xi32>,
    %get3A_379 = arith.constant 288 : index
    %get3A_380 = tpu.vector_load %arg7[%get3A_379] {strides = array<i32>} : memref<512xi32, #tpu.memory_space<vmem>>, vector<16xi32>,
    %get3A_381 = vector.shape_cast %get3A_380 : vector<16xi32> to vector<16xi32>
    %get3A_382 = arith.constant 288 : index
    %get3A_383 = tpu.vector_load %arg8[%get3A_382] {strides = array<i32>} : memref<512xi32, #tpu.memory_space<vmem>>, vector<16xi32>,
    %get3A_384 = vector.shape_cast %get3A_383 : vector<16xi32> to vector<16xi32>
    %mul3A_385 = arith.constant 100 : i32
    %mul3A_386 = vector.broadcast %mul3A_385 : i32 to vector<16xi32>
    %mul3A_387 = arith.muli %get3A_384, %mul3A_386 : vector<16xi32>
    %add3A_388 = arith.addi %get3A_381, %mul3A_387 : vector<16xi32>
    %get3A_389 = arith.constant 288 : index
    %get3A_390 = tpu.vector_load %arg9[%get3A_389] {strides = array<i32>} : memref<512xi32, #tpu.memory_space<vmem>>, vector<16xi32>,
    %get3A_391 = vector.shape_cast %get3A_390 : vector<16xi32> to vector<16xi32>
    %mul3A_392 = arith.constant 10000 : i32
    %mul3A_393 = vector.broadcast %mul3A_392 : i32 to vector<16xi32>
    %mul3A_394 = arith.muli %get3A_391, %mul3A_393 : vector<16xi32>
    %add3A_395 = arith.addi %add3A_388, %mul3A_394 : vector<16xi32>
    %swap3A_396 = arith.constant 288 : index
    %swap3A_397 = tpu.vector_load %arg10[%swap3A_396] {strides = array<i32>} : memref<512xi32, #tpu.memory_space<vmem>>, vector<16xi32>,
    %swap3A_398 = vector.shape_cast %swap3A_397 : vector<16xi32> to vector<16xi32>
    %swap3A_399 = vector.shape_cast %add3A_395 : vector<16xi32> to vector<16xi32>
    tpu.vector_store %arg10[%swap3A_396], %swap3A_399 {strides = array<i32>} : memref<512xi32, #tpu.memory_space<vmem>>, vector<16xi32>,
    %get3A_400 = arith.constant 304 : index
    %get3A_401 = tpu.vector_load %arg7[%get3A_400] {strides = array<i32>} : memref<512xi32, #tpu.memory_space<vmem>>, vector<16xi32>,
    %get3A_402 = vector.shape_cast %get3A_401 : vector<16xi32> to vector<16xi32>
    %get3A_403 = arith.constant 304 : index
    %get3A_404 = tpu.vector_load %arg8[%get3A_403] {strides = array<i32>} : memref<512xi32, #tpu.memory_space<vmem>>, vector<16xi32>,
    %get3A_405 = vector.shape_cast %get3A_404 : vector<16xi32> to vector<16xi32>
    %mul3A_406 = arith.constant 100 : i32
    %mul3A_407 = vector.broadcast %mul3A_406 : i32 to vector<16xi32>
    %mul3A_408 = arith.muli %get3A_405, %mul3A_407 : vector<16xi32>
    %add3A_409 = arith.addi %get3A_402, %mul3A_408 : vector<16xi32>
    %get3A_410 = arith.constant 304 : index
    %get3A_411 = tpu.vector_load %arg9[%get3A_410] {strides = array<i32>} : memref<512xi32, #tpu.memory_space<vmem>>, vector<16xi32>,
    %get3A_412 = vector.shape_cast %get3A_411 : vector<16xi32> to vector<16xi32>
    %mul3A_413 = arith.constant 10000 : i32
    %mul3A_414 = vector.broadcast %mul3A_413 : i32 to vector<16xi32>
    %mul3A_415 = arith.muli %get3A_412, %mul3A_414 : vector<16xi32>
    %add3A_416 = arith.addi %add3A_409, %mul3A_415 : vector<16xi32>
    %swap3A_417 = arith.constant 304 : index
    %swap3A_418 = tpu.vector_load %arg10[%swap3A_417] {strides = array<i32>} : memref<512xi32, #tpu.memory_space<vmem>>, vector<16xi32>,
    %swap3A_419 = vector.shape_cast %swap3A_418 : vector<16xi32> to vector<16xi32>
    %swap3A_420 = vector.shape_cast %add3A_416 : vector<16xi32> to vector<16xi32>
    tpu.vector_store %arg10[%swap3A_417], %swap3A_420 {strides = array<i32>} : memref<512xi32, #tpu.memory_space<vmem>>, vector<16xi32>,
    %get3A_421 = arith.constant 320 : index
    %get3A_422 = tpu.vector_load %arg7[%get3A_421] {strides = array<i32>} : memref<512xi32, #tpu.memory_space<vmem>>, vector<16xi32>,
    %get3A_423 = vector.shape_cast %get3A_422 : vector<16xi32> to vector<16xi32>
    %get3A_424 = arith.constant 320 : index
    %get3A_425 = tpu.vector_load %arg8[%get3A_424] {strides = array<i32>} : memref<512xi32, #tpu.memory_space<vmem>>, vector<16xi32>,
    %get3A_426 = vector.shape_cast %get3A_425 : vector<16xi32> to vector<16xi32>
    %mul3A_427 = arith.constant 100 : i32
    %mul3A_428 = vector.broadcast %mul3A_427 : i32 to vector<16xi32>
    %mul3A_429 = arith.muli %get3A_426, %mul3A_428 : vector<16xi32>
    %add3A_430 = arith.addi %get3A_423, %mul3A_429 : vector<16xi32>
    %get3A_431 = arith.constant 320 : index
    %get3A_432 = tpu.vector_load %arg9[%get3A_431] {strides = array<i32>} : memref<512xi32, #tpu.memory_space<vmem>>, vector<16xi32>,
    %get3A_433 = vector.shape_cast %get3A_432 : vector<16xi32> to vector<16xi32>
    %mul3A_434 = arith.constant 10000 : i32
    %mul3A_435 = vector.broadcast %mul3A_434 : i32 to vector<16xi32>
    %mul3A_436 = arith.muli %get3A_433, %mul3A_435 : vector<16xi32>
    %add3A_437 = arith.addi %add3A_430, %mul3A_436 : vector<16xi32>
    %swap3A_438 = arith.constant 320 : index
    %swap3A_439 = tpu.vector_load %arg10[%swap3A_438] {strides = array<i32>} : memref<512xi32, #tpu.memory_space<vmem>>, vector<16xi32>,
    %swap3A_440 = vector.shape_cast %swap3A_439 : vector<16xi32> to vector<16xi32>
    %swap3A_441 = vector.shape_cast %add3A_437 : vector<16xi32> to vector<16xi32>
    tpu.vector_store %arg10[%swap3A_438], %swap3A_441 {strides = array<i32>} : memref<512xi32, #tpu.memory_space<vmem>>, vector<16xi32>,
    %get3A_442 = arith.constant 336 : index
    %get3A_443 = tpu.vector_load %arg7[%get3A_442] {strides = array<i32>} : memref<512xi32, #tpu.memory_space<vmem>>, vector<16xi32>,
    %get3A_444 = vector.shape_cast %get3A_443 : vector<16xi32> to vector<16xi32>
    %get3A_445 = arith.constant 336 : index
    %get3A_446 = tpu.vector_load %arg8[%get3A_445] {strides = array<i32>} : memref<512xi32, #tpu.memory_space<vmem>>, vector<16xi32>,
    %get3A_447 = vector.shape_cast %get3A_446 : vector<16xi32> to vector<16xi32>
    %mul3A_448 = arith.constant 100 : i32
    %mul3A_449 = vector.broadcast %mul3A_448 : i32 to vector<16xi32>
    %mul3A_450 = arith.muli %get3A_447, %mul3A_449 : vector<16xi32>
    %add3A_451 = arith.addi %get3A_444, %mul3A_450 : vector<16xi32>
    %get3A_452 = arith.constant 336 : index
    %get3A_453 = tpu.vector_load %arg9[%get3A_452] {strides = array<i32>} : memref<512xi32, #tpu.memory_space<vmem>>, vector<16xi32>,
    %get3A_454 = vector.shape_cast %get3A_453 : vector<16xi32> to vector<16xi32>
    %mul3A_455 = arith.constant 10000 : i32
    %mul3A_456 = vector.broadcast %mul3A_455 : i32 to vector<16xi32>
    %mul3A_457 = arith.muli %get3A_454, %mul3A_456 : vector<16xi32>
    %add3A_458 = arith.addi %add3A_451, %mul3A_457 : vector<16xi32>
    %swap3A_459 = arith.constant 336 : index
    %swap3A_460 = tpu.vector_load %arg10[%swap3A_459] {strides = array<i32>} : memref<512xi32, #tpu.memory_space<vmem>>, vector<16xi32>,
    %swap3A_461 = vector.shape_cast %swap3A_460 : vector<16xi32> to vector<16xi32>
    %swap3A_462 = vector.shape_cast %add3A_458 : vector<16xi32> to vector<16xi32>
    tpu.vector_store %arg10[%swap3A_459], %swap3A_462 {strides = array<i32>} : memref<512xi32, #tpu.memory_space<vmem>>, vector<16xi32>,
    %get3A_463 = arith.constant 352 : index
    %get3A_464 = tpu.vector_load %arg7[%get3A_463] {strides = array<i32>} : memref<512xi32, #tpu.memory_space<vmem>>, vector<16xi32>,
    %get3A_465 = vector.shape_cast %get3A_464 : vector<16xi32> to vector<16xi32>
    %get3A_466 = arith.constant 352 : index
    %get3A_467 = tpu.vector_load %arg8[%get3A_466] {strides = array<i32>} : memref<512xi32, #tpu.memory_space<vmem>>, vector<16xi32>,
    %get3A_468 = vector.shape_cast %get3A_467 : vector<16xi32> to vector<16xi32>
    %mul3A_469 = arith.constant 100 : i32
    %mul3A_470 = vector.broadcast %mul3A_469 : i32 to vector<16xi32>
    %mul3A_471 = arith.muli %get3A_468, %mul3A_470 : vector<16xi32>
    %add3A_472 = arith.addi %get3A_465, %mul3A_471 : vector<16xi32>
    %get3A_473 = arith.constant 352 : index
    %get3A_474 = tpu.vector_load %arg9[%get3A_473] {strides = array<i32>} : memref<512xi32, #tpu.memory_space<vmem>>, vector<16xi32>,
    %get3A_475 = vector.shape_cast %get3A_474 : vector<16xi32> to vector<16xi32>
    %mul3A_476 = arith.constant 10000 : i32
    %mul3A_477 = vector.broadcast %mul3A_476 : i32 to vector<16xi32>
    %mul3A_478 = arith.muli %get3A_475, %mul3A_477 : vector<16xi32>
    %add3A_479 = arith.addi %add3A_472, %mul3A_478 : vector<16xi32>
    %swap3A_480 = arith.constant 352 : index
    %swap3A_481 = tpu.vector_load %arg10[%swap3A_480] {strides = array<i32>} : memref<512xi32, #tpu.memory_space<vmem>>, vector<16xi32>,
    %swap3A_482 = vector.shape_cast %swap3A_481 : vector<16xi32> to vector<16xi32>
    %swap3A_483 = vector.shape_cast %add3A_479 : vector<16xi32> to vector<16xi32>
    tpu.vector_store %arg10[%swap3A_480], %swap3A_483 {strides = array<i32>} : memref<512xi32, #tpu.memory_space<vmem>>, vector<16xi32>,
    %get3A_484 = arith.constant 368 : index
    %get3A_485 = tpu.vector_load %arg7[%get3A_484] {strides = array<i32>} : memref<512xi32, #tpu.memory_space<vmem>>, vector<16xi32>,
    %get3A_486 = vector.shape_cast %get3A_485 : vector<16xi32> to vector<16xi32>
    %get3A_487 = arith.constant 368 : index
    %get3A_488 = tpu.vector_load %arg8[%get3A_487] {strides = array<i32>} : memref<512xi32, #tpu.memory_space<vmem>>, vector<16xi32>,
    %get3A_489 = vector.shape_cast %get3A_488 : vector<16xi32> to vector<16xi32>
    %mul3A_490 = arith.constant 100 : i32
    %mul3A_491 = vector.broadcast %mul3A_490 : i32 to vector<16xi32>
    %mul3A_492 = arith.muli %get3A_489, %mul3A_491 : vector<16xi32>
    %add3A_493 = arith.addi %get3A_486, %mul3A_492 : vector<16xi32>
    %get3A_494 = arith.constant 368 : index
    %get3A_495 = tpu.vector_load %arg9[%get3A_494] {strides = array<i32>} : memref<512xi32, #tpu.memory_space<vmem>>, vector<16xi32>,
    %get3A_496 = vector.shape_cast %get3A_495 : vector<16xi32> to vector<16xi32>
    %mul3A_497 = arith.constant 10000 : i32
    %mul3A_498 = vector.broadcast %mul3A_497 : i32 to vector<16xi32>
    %mul3A_499 = arith.muli %get3A_496, %mul3A_498 : vector<16xi32>
    %add3A_500 = arith.addi %add3A_493, %mul3A_499 : vector<16xi32>
    %swap3A_501 = arith.constant 368 : index
    %swap3A_502 = tpu.vector_load %arg10[%swap3A_501] {strides = array<i32>} : memref<512xi32, #tpu.memory_space<vmem>>, vector<16xi32>,
    %swap3A_503 = vector.shape_cast %swap3A_502 : vector<16xi32> to vector<16xi32>
    %swap3A_504 = vector.shape_cast %add3A_500 : vector<16xi32> to vector<16xi32>
    tpu.vector_store %arg10[%swap3A_501], %swap3A_504 {strides = array<i32>} : memref<512xi32, #tpu.memory_space<vmem>>, vector<16xi32>,
    %get3A_505 = arith.constant 384 : index
    %get3A_506 = tpu.vector_load %arg7[%get3A_505] {strides = array<i32>} : memref<512xi32, #tpu.memory_space<vmem>>, vector<16xi32>,
    %get3A_507 = vector.shape_cast %get3A_506 : vector<16xi32> to vector<16xi32>
    %get3A_508 = arith.constant 384 : index
    %get3A_509 = tpu.vector_load %arg8[%get3A_508] {strides = array<i32>} : memref<512xi32, #tpu.memory_space<vmem>>, vector<16xi32>,
    %get3A_510 = vector.shape_cast %get3A_509 : vector<16xi32> to vector<16xi32>
    %mul3A_511 = arith.constant 100 : i32
    %mul3A_512 = vector.broadcast %mul3A_511 : i32 to vector<16xi32>
    %mul3A_513 = arith.muli %get3A_510, %mul3A_512 : vector<16xi32>
    %add3A_514 = arith.addi %get3A_507, %mul3A_513 : vector<16xi32>
    %get3A_515 = arith.constant 384 : index
    %get3A_516 = tpu.vector_load %arg9[%get3A_515] {strides = array<i32>} : memref<512xi32, #tpu.memory_space<vmem>>, vector<16xi32>,
    %get3A_517 = vector.shape_cast %get3A_516 : vector<16xi32> to vector<16xi32>
    %mul3A_518 = arith.constant 10000 : i32
    %mul3A_519 = vector.broadcast %mul3A_518 : i32 to vector<16xi32>
    %mul3A_520 = arith.muli %get3A_517, %mul3A_519 : vector<16xi32>
    %add3A_521 = arith.addi %add3A_514, %mul3A_520 : vector<16xi32>
    %swap3A_522 = arith.constant 384 : index
    %swap3A_523 = tpu.vector_load %arg10[%swap3A_522] {strides = array<i32>} : memref<512xi32, #tpu.memory_space<vmem>>, vector<16xi32>,
    %swap3A_524 = vector.shape_cast %swap3A_523 : vector<16xi32> to vector<16xi32>
    %swap3A_525 = vector.shape_cast %add3A_521 : vector<16xi32> to vector<16xi32>
    tpu.vector_store %arg10[%swap3A_522], %swap3A_525 {strides = array<i32>} : memref<512xi32, #tpu.memory_space<vmem>>, vector<16xi32>,
    %get3A_526 = arith.constant 400 : index
    %get3A_527 = tpu.vector_load %arg7[%get3A_526] {strides = array<i32>} : memref<512xi32, #tpu.memory_space<vmem>>, vector<16xi32>,
    %get3A_528 = vector.shape_cast %get3A_527 : vector<16xi32> to vector<16xi32>
    %get3A_529 = arith.constant 400 : index
    %get3A_530 = tpu.vector_load %arg8[%get3A_529] {strides = array<i32>} : memref<512xi32, #tpu.memory_space<vmem>>, vector<16xi32>,
    %get3A_531 = vector.shape_cast %get3A_530 : vector<16xi32> to vector<16xi32>
    %mul3A_532 = arith.constant 100 : i32
    %mul3A_533 = vector.broadcast %mul3A_532 : i32 to vector<16xi32>
    %mul3A_534 = arith.muli %get3A_531, %mul3A_533 : vector<16xi32>
    %add3A_535 = arith.addi %get3A_528, %mul3A_534 : vector<16xi32>
    %get3A_536 = arith.constant 400 : index
    %get3A_537 = tpu.vector_load %arg9[%get3A_536] {strides = array<i32>} : memref<512xi32, #tpu.memory_space<vmem>>, vector<16xi32>,
    %get3A_538 = vector.shape_cast %get3A_537 : vector<16xi32> to vector<16xi32>
    %mul3A_539 = arith.constant 10000 : i32
    %mul3A_540 = vector.broadcast %mul3A_539 : i32 to vector<16xi32>
    %mul3A_541 = arith.muli %get3A_538, %mul3A_540 : vector<16xi32>
    %add3A_542 = arith.addi %add3A_535, %mul3A_541 : vector<16xi32>
    %swap3A_543 = arith.constant 400 : index
    %swap3A_544 = tpu.vector_load %arg10[%swap3A_543] {strides = array<i32>} : memref<512xi32, #tpu.memory_space<vmem>>, vector<16xi32>,
    %swap3A_545 = vector.shape_cast %swap3A_544 : vector<16xi32> to vector<16xi32>
    %swap3A_546 = vector.shape_cast %add3A_542 : vector<16xi32> to vector<16xi32>
    tpu.vector_store %arg10[%swap3A_543], %swap3A_546 {strides = array<i32>} : memref<512xi32, #tpu.memory_space<vmem>>, vector<16xi32>,
    %get3A_547 = arith.constant 416 : index
    %get3A_548 = tpu.vector_load %arg7[%get3A_547] {strides = array<i32>} : memref<512xi32, #tpu.memory_space<vmem>>, vector<16xi32>,
    %get3A_549 = vector.shape_cast %get3A_548 : vector<16xi32> to vector<16xi32>
    %get3A_550 = arith.constant 416 : index
    %get3A_551 = tpu.vector_load %arg8[%get3A_550] {strides = array<i32>} : memref<512xi32, #tpu.memory_space<vmem>>, vector<16xi32>,
    %get3A_552 = vector.shape_cast %get3A_551 : vector<16xi32> to vector<16xi32>
    %mul3A_553 = arith.constant 100 : i32
    %mul3A_554 = vector.broadcast %mul3A_553 : i32 to vector<16xi32>
    %mul3A_555 = arith.muli %get3A_552, %mul3A_554 : vector<16xi32>
    %add3A_556 = arith.addi %get3A_549, %mul3A_555 : vector<16xi32>
    %get3A_557 = arith.constant 416 : index
    %get3A_558 = tpu.vector_load %arg9[%get3A_557] {strides = array<i32>} : memref<512xi32, #tpu.memory_space<vmem>>, vector<16xi32>,
    %get3A_559 = vector.shape_cast %get3A_558 : vector<16xi32> to vector<16xi32>
    %mul3A_560 = arith.constant 10000 : i32
    %mul3A_561 = vector.broadcast %mul3A_560 : i32 to vector<16xi32>
    %mul3A_562 = arith.muli %get3A_559, %mul3A_561 : vector<16xi32>
    %add3A_563 = arith.addi %add3A_556, %mul3A_562 : vector<16xi32>
    %swap3A_564 = arith.constant 416 : index
    %swap3A_565 = tpu.vector_load %arg10[%swap3A_564] {strides = array<i32>} : memref<512xi32, #tpu.memory_space<vmem>>, vector<16xi32>,
    %swap3A_566 = vector.shape_cast %swap3A_565 : vector<16xi32> to vector<16xi32>
    %swap3A_567 = vector.shape_cast %add3A_563 : vector<16xi32> to vector<16xi32>
    tpu.vector_store %arg10[%swap3A_564], %swap3A_567 {strides = array<i32>} : memref<512xi32, #tpu.memory_space<vmem>>, vector<16xi32>,
    %get3A_568 = arith.constant 432 : index
    %get3A_569 = tpu.vector_load %arg7[%get3A_568] {strides = array<i32>} : memref<512xi32, #tpu.memory_space<vmem>>, vector<16xi32>,
    %get3A_570 = vector.shape_cast %get3A_569 : vector<16xi32> to vector<16xi32>
    %get3A_571 = arith.constant 432 : index
    %get3A_572 = tpu.vector_load %arg8[%get3A_571] {strides = array<i32>} : memref<512xi32, #tpu.memory_space<vmem>>, vector<16xi32>,
    %get3A_573 = vector.shape_cast %get3A_572 : vector<16xi32> to vector<16xi32>
    %mul3A_574 = arith.constant 100 : i32
    %mul3A_575 = vector.broadcast %mul3A_574 : i32 to vector<16xi32>
    %mul3A_576 = arith.muli %get3A_573, %mul3A_575 : vector<16xi32>
    %add3A_577 = arith.addi %get3A_570, %mul3A_576 : vector<16xi32>
    %get3A_578 = arith.constant 432 : index
    %get3A_579 = tpu.vector_load %arg9[%get3A_578] {strides = array<i32>} : memref<512xi32, #tpu.memory_space<vmem>>, vector<16xi32>,
    %get3A_580 = vector.shape_cast %get3A_579 : vector<16xi32> to vector<16xi32>
    %mul3A_581 = arith.constant 10000 : i32
    %mul3A_582 = vector.broadcast %mul3A_581 : i32 to vector<16xi32>
    %mul3A_583 = arith.muli %get3A_580, %mul3A_582 : vector<16xi32>
    %add3A_584 = arith.addi %add3A_577, %mul3A_583 : vector<16xi32>
    %swap3A_585 = arith.constant 432 : index
    %swap3A_586 = tpu.vector_load %arg10[%swap3A_585] {strides = array<i32>} : memref<512xi32, #tpu.memory_space<vmem>>, vector<16xi32>,
    %swap3A_587 = vector.shape_cast %swap3A_586 : vector<16xi32> to vector<16xi32>
    %swap3A_588 = vector.shape_cast %add3A_584 : vector<16xi32> to vector<16xi32>
    tpu.vector_store %arg10[%swap3A_585], %swap3A_588 {strides = array<i32>} : memref<512xi32, #tpu.memory_space<vmem>>, vector<16xi32>,
    %get3A_589 = arith.constant 448 : index
    %get3A_590 = tpu.vector_load %arg7[%get3A_589] {strides = array<i32>} : memref<512xi32, #tpu.memory_space<vmem>>, vector<16xi32>,
    %get3A_591 = vector.shape_cast %get3A_590 : vector<16xi32> to vector<16xi32>
    %get3A_592 = arith.constant 448 : index
    %get3A_593 = tpu.vector_load %arg8[%get3A_592] {strides = array<i32>} : memref<512xi32, #tpu.memory_space<vmem>>, vector<16xi32>,
    %get3A_594 = vector.shape_cast %get3A_593 : vector<16xi32> to vector<16xi32>
    %mul3A_595 = arith.constant 100 : i32
    %mul3A_596 = vector.broadcast %mul3A_595 : i32 to vector<16xi32>
    %mul3A_597 = arith.muli %get3A_594, %mul3A_596 : vector<16xi32>
    %add3A_598 = arith.addi %get3A_591, %mul3A_597 : vector<16xi32>
    %get3A_599 = arith.constant 448 : index
    %get3A_600 = tpu.vector_load %arg9[%get3A_599] {strides = array<i32>} : memref<512xi32, #tpu.memory_space<vmem>>, vector<16xi32>,
    %get3A_601 = vector.shape_cast %get3A_600 : vector<16xi32> to vector<16xi32>
    %mul3A_602 = arith.constant 10000 : i32
    %mul3A_603 = vector.broadcast %mul3A_602 : i32 to vector<16xi32>
    %mul3A_604 = arith.muli %get3A_601, %mul3A_603 : vector<16xi32>
    %add3A_605 = arith.addi %add3A_598, %mul3A_604 : vector<16xi32>
    %swap3A_606 = arith.constant 448 : index
    %swap3A_607 = tpu.vector_load %arg10[%swap3A_606] {strides = array<i32>} : memref<512xi32, #tpu.memory_space<vmem>>, vector<16xi32>,
    %swap3A_608 = vector.shape_cast %swap3A_607 : vector<16xi32> to vector<16xi32>
    %swap3A_609 = vector.shape_cast %add3A_605 : vector<16xi32> to vector<16xi32>
    tpu.vector_store %arg10[%swap3A_606], %swap3A_609 {strides = array<i32>} : memref<512xi32, #tpu.memory_space<vmem>>, vector<16xi32>,
    %get3A_610 = arith.constant 464 : index
    %get3A_611 = tpu.vector_load %arg7[%get3A_610] {strides = array<i32>} : memref<512xi32, #tpu.memory_space<vmem>>, vector<16xi32>,
    %get3A_612 = vector.shape_cast %get3A_611 : vector<16xi32> to vector<16xi32>
    %get3A_613 = arith.constant 464 : index
    %get3A_614 = tpu.vector_load %arg8[%get3A_613] {strides = array<i32>} : memref<512xi32, #tpu.memory_space<vmem>>, vector<16xi32>,
    %get3A_615 = vector.shape_cast %get3A_614 : vector<16xi32> to vector<16xi32>
    %mul3A_616 = arith.constant 100 : i32
    %mul3A_617 = vector.broadcast %mul3A_616 : i32 to vector<16xi32>
    %mul3A_618 = arith.muli %get3A_615, %mul3A_617 : vector<16xi32>
    %add3A_619 = arith.addi %get3A_612, %mul3A_618 : vector<16xi32>
    %get3A_620 = arith.constant 464 : index
    %get3A_621 = tpu.vector_load %arg9[%get3A_620] {strides = array<i32>} : memref<512xi32, #tpu.memory_space<vmem>>, vector<16xi32>,
    %get3A_622 = vector.shape_cast %get3A_621 : vector<16xi32> to vector<16xi32>
    %mul3A_623 = arith.constant 10000 : i32
    %mul3A_624 = vector.broadcast %mul3A_623 : i32 to vector<16xi32>
    %mul3A_625 = arith.muli %get3A_622, %mul3A_624 : vector<16xi32>
    %add3A_626 = arith.addi %add3A_619, %mul3A_625 : vector<16xi32>
    %swap3A_627 = arith.constant 464 : index
    %swap3A_628 = tpu.vector_load %arg10[%swap3A_627] {strides = array<i32>} : memref<512xi32, #tpu.memory_space<vmem>>, vector<16xi32>,
    %swap3A_629 = vector.shape_cast %swap3A_628 : vector<16xi32> to vector<16xi32>
    %swap3A_630 = vector.shape_cast %add3A_626 : vector<16xi32> to vector<16xi32>
    tpu.vector_store %arg10[%swap3A_627], %swap3A_630 {strides = array<i32>} : memref<512xi32, #tpu.memory_space<vmem>>, vector<16xi32>,
    %get3A_631 = arith.constant 480 : index
    %get3A_632 = tpu.vector_load %arg7[%get3A_631] {strides = array<i32>} : memref<512xi32, #tpu.memory_space<vmem>>, vector<16xi32>,
    %get3A_633 = vector.shape_cast %get3A_632 : vector<16xi32> to vector<16xi32>
    %get3A_634 = arith.constant 480 : index
    %get3A_635 = tpu.vector_load %arg8[%get3A_634] {strides = array<i32>} : memref<512xi32, #tpu.memory_space<vmem>>, vector<16xi32>,
    %get3A_636 = vector.shape_cast %get3A_635 : vector<16xi32> to vector<16xi32>
    %mul3A_637 = arith.constant 100 : i32
    %mul3A_638 = vector.broadcast %mul3A_637 : i32 to vector<16xi32>
    %mul3A_639 = arith.muli %get3A_636, %mul3A_638 : vector<16xi32>
    %add3A_640 = arith.addi %get3A_633, %mul3A_639 : vector<16xi32>
    %get3A_641 = arith.constant 480 : index
    %get3A_642 = tpu.vector_load %arg9[%get3A_641] {strides = array<i32>} : memref<512xi32, #tpu.memory_space<vmem>>, vector<16xi32>,
    %get3A_643 = vector.shape_cast %get3A_642 : vector<16xi32> to vector<16xi32>
    %mul3A_644 = arith.constant 10000 : i32
    %mul3A_645 = vector.broadcast %mul3A_644 : i32 to vector<16xi32>
    %mul3A_646 = arith.muli %get3A_643, %mul3A_645 : vector<16xi32>
    %add3A_647 = arith.addi %add3A_640, %mul3A_646 : vector<16xi32>
    %swap3A_648 = arith.constant 480 : index
    %swap3A_649 = tpu.vector_load %arg10[%swap3A_648] {strides = array<i32>} : memref<512xi32, #tpu.memory_space<vmem>>, vector<16xi32>,
    %swap3A_650 = vector.shape_cast %swap3A_649 : vector<16xi32> to vector<16xi32>
    %swap3A_651 = vector.shape_cast %add3A_647 : vector<16xi32> to vector<16xi32>
    tpu.vector_store %arg10[%swap3A_648], %swap3A_651 {strides = array<i32>} : memref<512xi32, #tpu.memory_space<vmem>>, vector<16xi32>,
    %get3A_652 = arith.constant 496 : index
    %get3A_653 = tpu.vector_load %arg7[%get3A_652] {strides = array<i32>} : memref<512xi32, #tpu.memory_space<vmem>>, vector<16xi32>,
    %get3A_654 = vector.shape_cast %get3A_653 : vector<16xi32> to vector<16xi32>
    %get3A_655 = arith.constant 496 : index
    %get3A_656 = tpu.vector_load %arg8[%get3A_655] {strides = array<i32>} : memref<512xi32, #tpu.memory_space<vmem>>, vector<16xi32>,
    %get3A_657 = vector.shape_cast %get3A_656 : vector<16xi32> to vector<16xi32>
    %mul3A_658 = arith.constant 100 : i32
    %mul3A_659 = vector.broadcast %mul3A_658 : i32 to vector<16xi32>
    %mul3A_660 = arith.muli %get3A_657, %mul3A_659 : vector<16xi32>
    %add3A_661 = arith.addi %get3A_654, %mul3A_660 : vector<16xi32>
    %get3A_662 = arith.constant 496 : index
    %get3A_663 = tpu.vector_load %arg9[%get3A_662] {strides = array<i32>} : memref<512xi32, #tpu.memory_space<vmem>>, vector<16xi32>,
    %get3A_664 = vector.shape_cast %get3A_663 : vector<16xi32> to vector<16xi32>
    %mul3A_665 = arith.constant 10000 : i32
    %mul3A_666 = vector.broadcast %mul3A_665 : i32 to vector<16xi32>
    %mul3A_667 = arith.muli %get3A_664, %mul3A_666 : vector<16xi32>
    %add3A_668 = arith.addi %add3A_661, %mul3A_667 : vector<16xi32>
    %swap3A_669 = arith.constant 496 : index
    %swap3A_670 = tpu.vector_load %arg10[%swap3A_669] {strides = array<i32>} : memref<512xi32, #tpu.memory_space<vmem>>, vector<16xi32>,
    %swap3A_671 = vector.shape_cast %swap3A_670 : vector<16xi32> to vector<16xi32>
    %swap3A_672 = vector.shape_cast %add3A_668 : vector<16xi32> to vector<16xi32>
    tpu.vector_store %arg10[%swap3A_669], %swap3A_672 {strides = array<i32>} : memref<512xi32, #tpu.memory_space<vmem>>, vector<16xi32>,
    %dma_start3A = arith.constant 0 : i32
    %dma_start3A_673 = arith.constant 0 : i32
    %dma_start3A_674 = tpu.memref_slice %arg11[%dma_start3A, %dma_start3A_673] : memref<512x32xf32, #tpu.memory_space<vmem>> -> memref<128x32xf32, #tpu.memory_space<vmem>>
    %dma_start3A_675 = arith.constant 0 : i32
    %dma_start3A_676 = tpu.memref_slice %arg10[%dma_start3A_675] : memref<512xi32, #tpu.memory_space<vmem>> -> memref<128xi32, #tpu.memory_space<vmem>>
    %dma_start3A_677 = arith.constant 0 : i32
    %dma_start3A_678 = arith.constant 0 : i32
    %dma_start3A_679 = tpu.memref_slice %arg5[%dma_start3A_677, %dma_start3A_678] : memref<1000000x32xf32, #tpu.memory_space<hbm>> -> memref<1000000x32xf32, #tpu.memory_space<hbm>>
    tpu.enqueue_indirect_dma source(%dma_start3A_679 : memref<1000000x32xf32, #tpu.memory_space<hbm>>) target(%dma_start3A_674 : memref<128x32xf32, #tpu.memory_space<vmem>>) offsets(%dma_start3A_676 : memref<128xi32, #tpu.memory_space<vmem>>) semaphore(%arg12 : memref<!tpu.dma_semaphore, #tpu.memory_space<semaphore_mem>>)
    %dma_start3A_680 = arith.constant 128 : i32
    %dma_start3A_681 = arith.constant 0 : i32
    %dma_start3A_682 = tpu.memref_slice %arg11[%dma_start3A_680, %dma_start3A_681] : memref<512x32xf32, #tpu.memory_space<vmem>> -> memref<128x32xf32, #tpu.memory_space<vmem>>
    %dma_start3A_683 = arith.constant 128 : i32
    %dma_start3A_684 = tpu.memref_slice %arg10[%dma_start3A_683] : memref<512xi32, #tpu.memory_space<vmem>> -> memref<128xi32, #tpu.memory_space<vmem>>
    %dma_start3A_685 = arith.constant 0 : i32
    %dma_start3A_686 = arith.constant 0 : i32
    %dma_start3A_687 = tpu.memref_slice %arg5[%dma_start3A_685, %dma_start3A_686] : memref<1000000x32xf32, #tpu.memory_space<hbm>> -> memref<1000000x32xf32, #tpu.memory_space<hbm>>
    tpu.enqueue_indirect_dma source(%dma_start3A_687 : memref<1000000x32xf32, #tpu.memory_space<hbm>>) target(%dma_start3A_682 : memref<128x32xf32, #tpu.memory_space<vmem>>) offsets(%dma_start3A_684 : memref<128xi32, #tpu.memory_space<vmem>>) semaphore(%arg12 : memref<!tpu.dma_semaphore, #tpu.memory_space<semaphore_mem>>)
    %dma_start3A_688 = arith.constant 256 : i32
    %dma_start3A_689 = arith.constant 0 : i32
    %dma_start3A_690 = tpu.memref_slice %arg11[%dma_start3A_688, %dma_start3A_689] : memref<512x32xf32, #tpu.memory_space<vmem>> -> memref<128x32xf32, #tpu.memory_space<vmem>>
    %dma_start3A_691 = arith.constant 256 : i32
    %dma_start3A_692 = tpu.memref_slice %arg10[%dma_start3A_691] : memref<512xi32, #tpu.memory_space<vmem>> -> memref<128xi32, #tpu.memory_space<vmem>>
    %dma_start3A_693 = arith.constant 0 : i32
    %dma_start3A_694 = arith.constant 0 : i32
    %dma_start3A_695 = tpu.memref_slice %arg5[%dma_start3A_693, %dma_start3A_694] : memref<1000000x32xf32, #tpu.memory_space<hbm>> -> memref<1000000x32xf32, #tpu.memory_space<hbm>>
    tpu.enqueue_indirect_dma source(%dma_start3A_695 : memref<1000000x32xf32, #tpu.memory_space<hbm>>) target(%dma_start3A_690 : memref<128x32xf32, #tpu.memory_space<vmem>>) offsets(%dma_start3A_692 : memref<128xi32, #tpu.memory_space<vmem>>) semaphore(%arg12 : memref<!tpu.dma_semaphore, #tpu.memory_space<semaphore_mem>>)
    %dma_start3A_696 = arith.constant 384 : i32
    %dma_start3A_697 = arith.constant 0 : i32
    %dma_start3A_698 = tpu.memref_slice %arg11[%dma_start3A_696, %dma_start3A_697] : memref<512x32xf32, #tpu.memory_space<vmem>> -> memref<128x32xf32, #tpu.memory_space<vmem>>
    %dma_start3A_699 = arith.constant 384 : i32
    %dma_start3A_700 = tpu.memref_slice %arg10[%dma_start3A_699] : memref<512xi32, #tpu.memory_space<vmem>> -> memref<128xi32, #tpu.memory_space<vmem>>
    %dma_start3A_701 = arith.constant 0 : i32
    %dma_start3A_702 = arith.constant 0 : i32
    %dma_start3A_703 = tpu.memref_slice %arg5[%dma_start3A_701, %dma_start3A_702] : memref<1000000x32xf32, #tpu.memory_space<hbm>> -> memref<1000000x32xf32, #tpu.memory_space<hbm>>
    tpu.enqueue_indirect_dma source(%dma_start3A_703 : memref<1000000x32xf32, #tpu.memory_space<hbm>>) target(%dma_start3A_698 : memref<128x32xf32, #tpu.memory_space<vmem>>) offsets(%dma_start3A_700 : memref<128xi32, #tpu.memory_space<vmem>>) semaphore(%arg12 : memref<!tpu.dma_semaphore, #tpu.memory_space<semaphore_mem>>)
    %dma_wait3A = arith.constant 0 : i32
    %dma_wait3A_704 = arith.constant 0 : i32
    %dma_wait3A_705 = tpu.memref_slice %arg11[%dma_wait3A, %dma_wait3A_704] : memref<512x32xf32, #tpu.memory_space<vmem>> -> memref<128x32xf32, #tpu.memory_space<vmem>>
    %dma_wait3A_706 = arith.constant 0 : i32
    %dma_wait3A_707 = tpu.memref_slice %arg10[%dma_wait3A_706] : memref<512xi32, #tpu.memory_space<vmem>> -> memref<128xi32, #tpu.memory_space<vmem>>
    %dma_wait3A_708 = arith.constant 0 : i32
    %dma_wait3A_709 = arith.constant 0 : i32
    %dma_wait3A_710 = tpu.memref_slice %arg5[%dma_wait3A_708, %dma_wait3A_709] : memref<1000000x32xf32, #tpu.memory_space<hbm>> -> memref<1000000x32xf32, #tpu.memory_space<hbm>>
    tpu.wait_indirect_dma semaphore(%arg12 : memref<!tpu.dma_semaphore, #tpu.memory_space<semaphore_mem>>) src(%dma_wait3A_710 : memref<1000000x32xf32, #tpu.memory_space<hbm>>) dst(%dma_wait3A_705 : memref<128x32xf32, #tpu.memory_space<vmem>>)
    %dma_wait3A_711 = arith.constant 128 : i32
    %dma_wait3A_712 = arith.constant 0 : i32
    %dma_wait3A_713 = tpu.memref_slice %arg11[%dma_wait3A_711, %dma_wait3A_712] : memref<512x32xf32, #tpu.memory_space<vmem>> -> memref<128x32xf32, #tpu.memory_space<vmem>>
    %dma_wait3A_714 = arith.constant 128 : i32
    %dma_wait3A_715 = tpu.memref_slice %arg10[%dma_wait3A_714] : memref<512xi32, #tpu.memory_space<vmem>> -> memref<128xi32, #tpu.memory_space<vmem>>
    %dma_wait3A_716 = arith.constant 0 : i32
    %dma_wait3A_717 = arith.constant 0 : i32
    %dma_wait3A_718 = tpu.memref_slice %arg5[%dma_wait3A_716, %dma_wait3A_717] : memref<1000000x32xf32, #tpu.memory_space<hbm>> -> memref<1000000x32xf32, #tpu.memory_space<hbm>>
    tpu.wait_indirect_dma semaphore(%arg12 : memref<!tpu.dma_semaphore, #tpu.memory_space<semaphore_mem>>) src(%dma_wait3A_718 : memref<1000000x32xf32, #tpu.memory_space<hbm>>) dst(%dma_wait3A_713 : memref<128x32xf32, #tpu.memory_space<vmem>>)
    %dma_wait3A_719 = arith.constant 256 : i32
    %dma_wait3A_720 = arith.constant 0 : i32
    %dma_wait3A_721 = tpu.memref_slice %arg11[%dma_wait3A_719, %dma_wait3A_720] : memref<512x32xf32, #tpu.memory_space<vmem>> -> memref<128x32xf32, #tpu.memory_space<vmem>>
    %dma_wait3A_722 = arith.constant 256 : i32
    %dma_wait3A_723 = tpu.memref_slice %arg10[%dma_wait3A_722] : memref<512xi32, #tpu.memory_space<vmem>> -> memref<128xi32, #tpu.memory_space<vmem>>
    %dma_wait3A_724 = arith.constant 0 : i32
    %dma_wait3A_725 = arith.constant 0 : i32
    %dma_wait3A_726 = tpu.memref_slice %arg5[%dma_wait3A_724, %dma_wait3A_725] : memref<1000000x32xf32, #tpu.memory_space<hbm>> -> memref<1000000x32xf32, #tpu.memory_space<hbm>>
    tpu.wait_indirect_dma semaphore(%arg12 : memref<!tpu.dma_semaphore, #tpu.memory_space<semaphore_mem>>) src(%dma_wait3A_726 : memref<1000000x32xf32, #tpu.memory_space<hbm>>) dst(%dma_wait3A_721 : memref<128x32xf32, #tpu.memory_space<vmem>>)
    %dma_wait3A_727 = arith.constant 384 : i32
    %dma_wait3A_728 = arith.constant 0 : i32
    %dma_wait3A_729 = tpu.memref_slice %arg11[%dma_wait3A_727, %dma_wait3A_728] : memref<512x32xf32, #tpu.memory_space<vmem>> -> memref<128x32xf32, #tpu.memory_space<vmem>>
    %dma_wait3A_730 = arith.constant 384 : i32
    %dma_wait3A_731 = tpu.memref_slice %arg10[%dma_wait3A_730] : memref<512xi32, #tpu.memory_space<vmem>> -> memref<128xi32, #tpu.memory_space<vmem>>
    %dma_wait3A_732 = arith.constant 0 : i32
    %dma_wait3A_733 = arith.constant 0 : i32
    %dma_wait3A_734 = tpu.memref_slice %arg5[%dma_wait3A_732, %dma_wait3A_733] : memref<1000000x32xf32, #tpu.memory_space<hbm>> -> memref<1000000x32xf32, #tpu.memory_space<hbm>>
    tpu.wait_indirect_dma semaphore(%arg12 : memref<!tpu.dma_semaphore, #tpu.memory_space<semaphore_mem>>) src(%dma_wait3A_734 : memref<1000000x32xf32, #tpu.memory_space<hbm>>) dst(%dma_wait3A_729 : memref<128x32xf32, #tpu.memory_space<vmem>>)
    "tpu.region"() ({
      %run_scoped3A = tpu.sem_alloc : memref<!tpu.dma_semaphore, #tpu.memory_space<semaphore_mem>>
      %dma_start3A_735 = arith.constant 0 : i32
      %dma_start3A_736 = tpu.memref_slice %arg6[%mul3A_2, %dma_start3A_735] : memref<16384x32xf32, #tpu.memory_space<hbm>> -> memref<512x32xf32, #tpu.memory_space<hbm>>
      %dma_start3A_737 = arith.constant 0 : i32
      %dma_start3A_738 = tpu.memref_slice %arg6[%mul3A_2, %dma_start3A_737] : memref<16384x32xf32, #tpu.memory_space<hbm>> -> memref<512x32xf32, #tpu.memory_space<hbm>>
      tpu.enqueue_dma source(%arg11 : memref<512x32xf32, #tpu.memory_space<vmem>>) target(%dma_start3A_738 : memref<512x32xf32, #tpu.memory_space<hbm>>) target_semaphore(%run_scoped3A : memref<!tpu.dma_semaphore, #tpu.memory_space<semaphore_mem>>)
      %dma_wait3A_739 = arith.constant 0 : i32
      %dma_wait3A_740 = tpu.memref_slice %arg6[%mul3A_2, %dma_wait3A_739] : memref<16384x32xf32, #tpu.memory_space<hbm>> -> memref<512x32xf32, #tpu.memory_space<hbm>>
      %dma_wait3A_741 = arith.constant 0 : i32
      %dma_wait3A_742 = tpu.memref_slice %arg6[%mul3A_2, %dma_wait3A_741] : memref<16384x32xf32, #tpu.memory_space<hbm>> -> memref<512x32xf32, #tpu.memory_space<hbm>>
      tpu.wait_dma2 semaphore(%run_scoped3A : memref<!tpu.dma_semaphore, #tpu.memory_space<semaphore_mem>>) src(%arg11 : memref<512x32xf32, #tpu.memory_space<vmem>>) dst(%dma_wait3A_742 : memref<512x32xf32, #tpu.memory_space<hbm>>)
      tpu.yield
    }) : () -> ()
    return
  }
}

module attributes {stable_mosaic.version = 14 : i64} {
  func.func @_mlp_body(%arg0: i32, %arg1: memref<2048x32xf32, #tpu.memory_space<vmem>>, %arg2: memref<32x64xf32, #tpu.memory_space<vmem>>, %arg3: memref<1x64xf32, #tpu.memory_space<vmem>>, %arg4: memref<64x32xf32, #tpu.memory_space<vmem>>, %arg5: memref<1x32xf32, #tpu.memory_space<vmem>>, %arg6: memref<2048x32xf32, #tpu.memory_space<vmem>>) attributes {dimension_semantics = [#tpu.dimension_semantics<arbitrary>], iteration_bounds = array<i64: 8>, scalar_prefetch = 0 : i64, scratch_operands = 0 : i64, tpu.core_type = #tpu.core_type<tc>, window_params = [{transform_indices = @transform_0, window_bounds = array<i64: 2048, 32>}, {pipeline_mode = #tpu.pipeline_mode<synchronous>, transform_indices = @transform_1, window_bounds = array<i64: 32, 64>}, {pipeline_mode = #tpu.pipeline_mode<synchronous>, transform_indices = @transform_2, window_bounds = array<i64: 1, 64>}, {pipeline_mode = #tpu.pipeline_mode<synchronous>, transform_indices = @transform_3, window_bounds = array<i64: 64, 32>}, {pipeline_mode = #tpu.pipeline_mode<synchronous>, transform_indices = @transform_4, window_bounds = array<i64: 1, 32>}, {transform_indices = @transform_5, window_bounds = array<i64: 2048, 32>}]} {
    %get3A = arith.constant 0 : index
    %get3A_0 = arith.constant 0 : index
    %get3A_1 = vector.load %arg1[%get3A, %get3A_0] : memref<2048x32xf32, #tpu.memory_space<vmem>>, vector<2048x32xf32>
    %get3A_2 = arith.constant 0 : index
    %get3A_3 = arith.constant 0 : index
    %get3A_4 = vector.load %arg2[%get3A_2, %get3A_3] : memref<32x64xf32, #tpu.memory_space<vmem>>, vector<32x64xf32>
    %dot_general3A = arith.constant dense<0.000000e+00> : vector<2048x64xf32>
    %dot_general3A_5 = tpu.matmul %get3A_1, %get3A_4, %dot_general3A {dimension_numbers = #tpu.dot_dimension_numbers<[1], [0], [0], [1], [0, 0, 1, 1], [], []>, transpose_lhs_hint = false} : vector<2048x32xf32>, vector<32x64xf32>, vector<2048x64xf32> -> vector<2048x64xf32>
    %get3A_6 = arith.constant 0 : index
    %get3A_7 = arith.constant 0 : index
    %get3A_8 = vector.load %arg3[%get3A_6, %get3A_7] : memref<1x64xf32, #tpu.memory_space<vmem>>, vector<1x64xf32>
    %add3A = vector.broadcast %get3A_8 : vector<1x64xf32> to vector<2048x64xf32>
    %add3A_9 = arith.addf %dot_general3A_5, %add3A : vector<2048x64xf32>
    %max3A = arith.constant 0.000000e+00 : f32
    %max3A_10 = vector.broadcast %max3A : f32 to vector<2048x64xf32>
    %max3A_11 = arith.maximumf %add3A_9, %max3A_10 : vector<2048x64xf32>
    %get3A_12 = arith.constant 0 : index
    %get3A_13 = arith.constant 0 : index
    %get3A_14 = vector.load %arg4[%get3A_12, %get3A_13] : memref<64x32xf32, #tpu.memory_space<vmem>>, vector<64x32xf32>
    %dot_general3A_15 = arith.constant dense<0.000000e+00> : vector<2048x32xf32>
    %dot_general3A_16 = tpu.matmul %max3A_11, %get3A_14, %dot_general3A_15 {dimension_numbers = #tpu.dot_dimension_numbers<[1], [0], [0], [1], [0, 0, 1, 1], [], []>, transpose_lhs_hint = false} : vector<2048x64xf32>, vector<64x32xf32>, vector<2048x32xf32> -> vector<2048x32xf32>
    %get3A_17 = arith.constant 0 : index
    %get3A_18 = arith.constant 0 : index
    %get3A_19 = vector.load %arg5[%get3A_17, %get3A_18] : memref<1x32xf32, #tpu.memory_space<vmem>>, vector<1x32xf32>
    %add3A_20 = vector.broadcast %get3A_19 : vector<1x32xf32> to vector<2048x32xf32>
    %add3A_21 = arith.addf %dot_general3A_16, %add3A_20 : vector<2048x32xf32>
    %max3A_22 = arith.constant 0.000000e+00 : f32
    %max3A_23 = vector.broadcast %max3A_22 : f32 to vector<2048x32xf32>
    %max3A_24 = arith.maximumf %add3A_21, %max3A_23 : vector<2048x32xf32>
    %swap3A = arith.constant 0 : index
    %swap3A_25 = arith.constant 0 : index
    %swap3A_26 = vector.load %arg6[%swap3A, %swap3A_25] : memref<2048x32xf32, #tpu.memory_space<vmem>>, vector<2048x32xf32>
    tpu.vector_store %arg6[%swap3A, %swap3A_25], %max3A_24 {strides = array<i32>} : memref<2048x32xf32, #tpu.memory_space<vmem>>, vector<2048x32xf32>,
    return
  }
  func.func @transform_0(%arg0: i32) -> (i32, i32) {
    %c0_i32 = arith.constant 0 : i32
    %c0_i32_0 = arith.constant 0 : i32
    return %arg0, %c0_i32 : i32, i32
  }
  func.func @transform_1(%arg0: i32) -> (i32, i32) {
    %c0_i32 = arith.constant 0 : i32
    %c0_i32_0 = arith.constant 0 : i32
    %c0_i32_1 = arith.constant 0 : i32
    return %c0_i32, %c0_i32_0 : i32, i32
  }
  func.func @transform_2(%arg0: i32) -> (i32, i32) {
    %c0_i32 = arith.constant 0 : i32
    %c0_i32_0 = arith.constant 0 : i32
    %c0_i32_1 = arith.constant 0 : i32
    return %c0_i32, %c0_i32_0 : i32, i32
  }
  func.func @transform_3(%arg0: i32) -> (i32, i32) {
    %c0_i32 = arith.constant 0 : i32
    %c0_i32_0 = arith.constant 0 : i32
    %c0_i32_1 = arith.constant 0 : i32
    return %c0_i32, %c0_i32_0 : i32, i32
  }
  func.func @transform_4(%arg0: i32) -> (i32, i32) {
    %c0_i32 = arith.constant 0 : i32
    %c0_i32_0 = arith.constant 0 : i32
    %c0_i32_1 = arith.constant 0 : i32
    return %c0_i32, %c0_i32_0 : i32, i32
  }
  func.func @transform_5(%arg0: i32) -> (i32, i32) {
    %c0_i32 = arith.constant 0 : i32
    %c0_i32_0 = arith.constant 0 : i32
    return %arg0, %c0_i32 : i32, i32
  }
}

</mosaic_0001>

<sc_bundles>
// kernel: kernel.4.cloned.1.call-start
scs
__scs_entry_jumppad:
0x0: {  	(pc) =	sbr.rel $0x88, $3  }
0x1: {  	(tag) =	ssettag $0x0;
	lr =	simm.s32 $0x1  }
0x2: {  	[smem:$0x3F9B] =	sst lr;
	_ =	strace $0xD0000000  }
0x3: {  	_ = 	snop  }
0x4: {  	_ = 	snop  }
0x5: {  	_ = 	snop  }
0x6: {  	_ = 	snop  }
0x7: {  	_ = 	snop  }
__scs_overlays_trampoline_lowered:
0x8: {  	[smem:$0x3FAA] =	sst s0  }
0x9: {  	[smem:$0x3FAB] =	sst s1  }
0xa: {  	[smem:$0x3FAC] =	sst s2  }
0xb: {  	[smem:$0x3FAD] =	sst s3  }
0xc: {  	[smem:$0x3FAE] =	sst s4  }
0xd: {  	[smem:$0x3FAF] =	sst s5  }
0xe: {  	[smem:$0x3FB0] =	sst s6  }
0xf: {  	[smem:$0x3FB1] =	sst s7  }
0x10: {  	[smem:$0x3FB2] =	sst s8  }
0x11: {  	[smem:$0x3FB3] =	sst s9;
	s0 =	simm.s32 @!p0 $0x0  }
0x12: {  	s1 =	sld [smem:$0x3F99];
	s0 =	simm.s32 @p0 $0x1  }
0x13: {  	[smem:$0x3FB4] =	sst s0;
	s0 =	simm.s32 @!p1 $0x0  }
0x14: {  	s2 =	sld [smem:$0x3F98];
	s0 =	simm.s32 @p1 $0x1  }
0x15: {  	[smem:$0x3FB5] =	sst s0;
	s0 =	simm.s32 @!p2 $0x0  }
0x16: {  	s3 =	sld [smem:$0x3FDB];
	s0 =	simm.s32 @p2 $0x1  }
0x17: {  	s4 =	simm.s32 $0x1BF5;
	[smem:$0x3FB7] =	sst s0  }
0x18: {  	s0 =	sld [smem:$0x3F9A];
	_ =	swait.ge [sflag:s4], $0x0  }
0x19: {  	s7 =	sld [smem:$0x3F9B]  }
0x1a: {  	s8 =	sadd.s32 $0xFFFFE003, lr  }
0x1b: {  	s9 =	sadd.s32 $0xFFFFFEF7, lr;
	s5 =	simm.s32 $0xFFFFFFFF;
	p2 =	slt.u32 s8, $0xFFFFF086  }
0x1c: {  	p1 =	slt.u32 s9, $0xF7A;
	s5 =	simm.s32 @!p2 $0x0  }
0x1d: {  	s5 =	simm.s32 @p1 $0x1;
	p0 =	seq.s32 s7, s2  }
0x1e: {  	s7 =	smul.u32 @!p0 $0xF7A, s2;
	p2 =	seq.s32 @!p0 s5, $0x0  }
0x1f: {  	s9 =	smul.u32 $0xF7A, s1;
	s8 =	simm.s32 @!p0 $0x1BF5;
	p2 =	por !p2, p0  }
0x20: {  	[sflag:s8] =	ssyncset.s32 @!p0 $0xFFFFF086;
	s6 =	sadd.s32 @!p0 s3, s7;
	s7 =	simm.s32 @!p0 $0x108  }
0x21: {  	s3 =	sadd.s32 s3, s9;
	s6 =	sadd.s32 @!p0 $0x88, s6;
	s7 =	simm.s32 @p2 $0x1082  }
0x22: {  	[simem:s7], [sflag:s8] =	dma.local @!p0 [hbm:s6], $0xF7A  }
0x23: {  	s9 =	sor.u32 $0xD0000000, s2;
	s6 =	simm.s32 $0x108;
	_ =	swait.ge @!p0 [sflag:s8], $0x0  }
0x24: {  	s3 =	sadd.s32 $0x88, s3;
	s6 =	simm.s32 @!p1 $0x1082;
	[sflag:s4] =	ssyncset.s32 $0xFFFFF086  }
0x25: {  	[simem:s6], [sflag:s4] =	dma.local [hbm:s3], $0xF7A  }
0x26: {  	[smem:$0x3F9B] =	sst s1;
	(tag) =	ssettag s2;
	_ =	strace s9  }
0x27: {  	s1 =	sld [smem:$0x3FAB]  }
0x28: {  	s2 =	sld [smem:$0x3FAC]  }
0x29: {  	s4 =	sld [smem:$0x3FAE]  }
0x2a: {  	p0 =	seq.s32 s5, $0x0;
	s5 =	sld [smem:$0x3FAF]  }
0x2b: {  	s6 =	sld [smem:$0x3FB0]  }
0x2c: {  	s7 =	sld [smem:$0x3FB1]  }
0x2d: {  	s3 =	simm.s32 $0x108;
	s8 =	sld [smem:$0x3FB2]  }
0x2e: {  	s3 =	simm.s32 @!p0 $0x1082;
	s9 =	sld [smem:$0x3FB3]  }
0x2f: {  	lr =	sadd.s32 s0, s3;
	s0 =	sld [smem:$0x3FAA]  }
0x30: {  	s3 =	sld [smem:$0x3FAD]  }
0x31: {  	[smem:$0x3FB6] =	sst s10  }
0x32: {  	s10 =	sld [smem:$0x3FB4];
	_ =	sdelay $0x3  }
0x33: {  	p0 =	seq.s32 s10, $0x1;
	s10 =	sld [smem:$0x3FB6];
	_ =	sdelay $0x3  }
0x34: {  	[smem:$0x3FB6] =	sst s10  }
0x35: {  	s10 =	sld [smem:$0x3FB5];
	_ =	sdelay $0x3  }
0x36: {  	p1 =	seq.s32 s10, $0x1;
	s10 =	sld [smem:$0x3FB6];
	_ =	sdelay $0x3  }
0x37: {  	[smem:$0x3FB6] =	sst s10  }
0x38: {  	s10 =	sld [smem:$0x3FB7]  }
0x39: {  	_ = 	snop;
	(pc) =	sbr.ind lr, $3  }
0x3a: {  	_ = 	snop  }
0x3b: {  	_ = 	snop  }
0x3c: {  	p2 =	seq.s32 s10, $0x1;
	s10 =	sld [smem:$0x3FB6]  }
0x3d: {  	_ =	shalt  }
0x3e: {  	_ =	shalt  }
0x3f: {  	_ =	shalt  }
0x40: {  	_ =	shalt  }
0x41: {  	_ =	shalt  }
0x42: {  	_ =	shalt  }
0x43: {  	_ =	shalt  }
0x44: {  	_ =	shalt  }
0x45: {  	_ =	shalt  }
0x46: {  	_ =	shalt  }
0x47: {  	_ =	shalt  }
0x48: {  	_ =	shalt  }
0x49: {  	_ =	shalt  }
0x4a: {  	_ =	shalt  }
0x4b: {  	_ =	shalt  }
0x4c: {  	_ =	shalt  }
0x4d: {  	_ =	shalt  }
0x4e: {  	_ =	shalt  }
0x4f: {  	_ =	shalt  }
0x50: {  	_ =	shalt  }
0x51: {  	_ =	shalt  }
0x52: {  	_ =	shalt  }
0x53: {  	_ =	shalt  }
0x54: {  	_ =	shalt  }
0x55: {  	_ =	shalt  }
0x56: {  	_ =	shalt  }
0x57: {  	_ =	shalt  }
0x58: {  	_ =	shalt  }
0x59: {  	_ =	shalt  }
0x5a: {  	_ =	shalt  }
0x5b: {  	_ =	shalt  }
0x5c: {  	_ =	shalt  }
0x5d: {  	_ =	shalt  }
0x5e: {  	_ =	shalt  }
0x5f: {  	_ =	shalt  }
0x60: {  	_ =	shalt  }
0x61: {  	_ =	shalt  }
0x62: {  	_ =	shalt  }
0x63: {  	_ =	shalt  }
0x64: {  	_ =	shalt  }
0x65: {  	_ =	shalt  }
0x66: {  	_ =	shalt  }
0x67: {  	_ =	shalt  }
0x68: {  	_ =	shalt  }
0x69: {  	_ =	shalt  }
0x6a: {  	_ =	shalt  }
0x6b: {  	_ =	shalt  }
0x6c: {  	_ =	shalt  }
0x6d: {  	_ =	shalt  }
0x6e: {  	_ =	shalt  }
0x6f: {  	_ =	shalt  }
0x70: {  	_ =	shalt  }
0x71: {  	_ =	shalt  }
0x72: {  	_ =	shalt  }
0x73: {  	_ =	shalt  }
0x74: {  	_ =	shalt  }
0x75: {  	_ =	shalt  }
0x76: {  	_ =	shalt  }
0x77: {  	_ =	shalt  }
0x78: {  	_ =	shalt  }
0x79: {  	_ =	shalt  }
0x7a: {  	_ =	shalt  }
0x7b: {  	_ =	shalt  }
0x7c: {  	_ =	shalt  }
0x7d: {  	_ =	shalt  }
0x7e: {  	_ =	shalt  }
0x7f: {  	_ =	shalt  }
0x80: {  	_ =	shalt  }
0x81: {  	_ =	shalt  }
0x82: {  	_ =	shalt  }
0x83: {  	_ =	shalt  }
0x84: {  	_ =	shalt  }
0x85: {  	_ =	shalt  }
0x86: {  	_ =	shalt  }
0x87: {  	_ =	shalt  }
.Lfunc_end0:
.L_simem_size_0:
called_computation_lowered:
.L_overlay_start_0:
0x88: {  	s2 =	sld [smem:$0x3FD9]  }
0x89: {  	s3 =	sld [smem:$0x3FFE];
	_ =	sdelay $0x1  }
0x8a: {  	s1 =	srdreg.scid  }
0x8b: {  	s0 =	sand.u32 $0x1, s1  }
0x8c: {  	s17 =	sshll.u32 s0, $0xA;
	s2 =	sadd.s32 s3, s2  }
0x8d: {  	s2 =	sadd.s32 s2, s17  }
0x8e: {  	[smem:$0x3FC2] =	sst s2  }
0x8f: {  	_ = 	snop  }
0x90: {  	s2 =	sld [smem:$0x3FD0];
	(tm) =	ssettm $0x1  }
0x91: {  	s18 =	sld [smem:$0x3FFB];
	_ =	sdelay $0x3  }
0x92: {  	_ =	strace s18  }
0x93: {  	s3 =	sld [smem:$0x3FFC];
	_ =	sdelay $0x3  }
0x94: {  	_ =	strace s3  }
0x95: {  	s3 =	sld [smem:$0x3FFD];
	_ =	sdelay $0x3  }
0x96: {  	_ =	strace s3  }
0x97: {  	_ =	strace $0x8FFFFFFF  }
0x98: {  	s19 =	sld [smem:$0x3FDB];
	_ =	sdelay $0x1  }
0x99: {  	s4 =	simm.s32 $_scs_section_size  }
0x9a: {  	s5 =	simm.s32 $_size__tile_overlayer_lowered;
	s6 =	simm.s32 $_tile_overlayer_lowered  }
0x9b: {  	s22 =	simm.s32 $0x1BFF;
	s21 =	sshll.u32 s6, $0x1;
	s3 =	sadd.s32 s4, s19  }
0x9c: {  	s7 =	simm.s32 $0x0;
	s20 =	sshll.u32 s5, $0x1;
	s5 =	sadd.s32 s21, s3  }
0x9d: {  	[timem:s7], [sflag:s22] =	dma.local [hbm:s5], s20  }
0x9e: {  	_ =	swait.ge [sflag:s22], s20  }
0x9f: {  	s4 =	ssub.s32 $0x0, s20;
	[sflag:s22] =	ssyncset.done $0x0  }
0xa0: {  	[sflag:s22] =	ssyncadd.s32 s4;
	_ =	sdelay $0x1  }
0xa1: {  	s23 =	simm.s32 $0x1B8B  }
0xa2: {  	_ =	swait.ge [sflag:s23], $0x1  }
0xa3: {  	[sflag:s23] =	ssyncset.done $0x0  }
0xa4: {  	s25 =	simm.s32 $0x1B8E;
	s24 =	sld [smem:$0x3FFE];
	[sflag:s23] =	ssyncadd.s32 $0xFFFFFFFF  }
0xa5: {  	s26 =	simm.s32 $execute0_lowered;
	[smem:$0x3FD2] =	sst s25  }
0xa6: {  	s5 =	sshll.u32 s26, $0x1;
	_ =	strace $0x80000046;
	[dreg:$0x1] =	wrdreg $0xFFFFFFFF  }
0xa7: {  	s28 =	simm.s32 $_size_execute0_lowered;
	s3 =	sadd.s32 s3, s5;
	[dreg:$0x0] =	wrdreg $0x0  }
0xa8: {  	s5 =	sshll.u32 s28, $0x1;
	[dreg:$0x2] =	wrdreg s3  }
0xa9: {  	[dreg:$0x3] =	wrdreg s5  }
0xaa: {  	[dreg:$0x4] =	wrdreg $0xC0  }
0xab: {  	_ =	task [dreg:s7], $0x5FFFF  }
0xac: {  	[dreg:$0x1] =	wrdreg $0xFFFFFFFF  }
0xad: {  	[dreg:$0x0] =	wrdreg $0x60  }
0xae: {  	[dreg:$0x2] =	wrdreg s24  }
0xaf: {  	[dreg:$0x3] =	wrdreg s2  }
0xb0: {  	[dreg:$0x4] =	wrdreg $0x9  }
0xb1: {  	_ =	task.clear_ibuf [dreg:s7], $0x5FFFF;
	_ =	strace $0x90000046  }
0xb2: {  	s29 =	simm.s32 $0x9;
	_ =	strace $0x80000048  }
0xb3: {  	_ =	swait.ge [sflag:s29], $0x1  }
0xb4: {  	[sflag:s29] =	ssyncadd.s32 $0xFFFFFFFF  }
0xb5: {  	_ =	strace $0x90000048  }
0xb6: {  	_ =	sfence  }
0xb7: {  	s30 =	sld [smem:$0x0];
	_ =	sdelay $0x2  }
0xb8: {  	s31 =	sshll.u32 s1, $0xD;
	s1 =	sshrl.u32 s1, $0x2  }
0xb9: {  	s3 =	sand.u32 $0x4000, s31;
	s1 =	sadd.s32 s1, s30  }
0xba: {  	s0 =	sor.u32 s3, s0;
	s1 =	sshll.u32 s1, $0x11  }
0xbb: {  	s0 =	sor.u32 s1, s0  }
0xbc: {  	s0 =	sadd.s32 $0x8F2B, s0  }
0xbd: {  	[sflag:s0] =	ssyncadd.remote.s32 $0x1  }
0xbe: {  	_ =	sfence.sel $0xFFFF  }
0xbf: {  	[dreg:$0x0] =	wrdreg $0xFFFFFFFF;
	(pc) =	sbr.abs _section_cstart, $3  }
0xc0: {  	[dreg:$0x1] =	wrdreg $0xFFFFFFFF  }
0xc1: {  	_ =	task.clear_ibuf [dreg:s7], $0x2FFFF;
	_ =	strace $0x9FFFFFFF  }
0xc2: {  	(tm) =	ssettm $0x7FFFFFFF  }
0xc3: {  	_ =	shalt  }
tec
execute0_lowered:
.L_overlay_start_1:
0x0: {  	(tag) =	ssettag $0x1  }
0x1: {  	s1 =	srdreg.scid;
	s3 =	rddreg [dreg:$0x0]  }
0x2: {  	s0 =	stileid.u32;
	s7 =	rddreg [dreg:$0x1]  }
0x3: {  	s2 =	simm.s32 $0x0;
	s10 =	simm.s32 $0x200;
	s11 =	simm.s32 $0x400  }
0x4: {  	s12 =	simm.s32 $0x80;
	s13 =	simm.s32 $0x600;
	s14 =	simm.s32 $0x800  }
0x5: {  	s15 =	simm.s32 $0x680;
	s16 =	simm.s32 $0x1800;
	s17 =	simm.s32 $0x700  }
0x6: {  	s18 =	simm.s32 $0x2800;
	s19 =	simm.s32 $0x780;
	s20 =	simm.s32 $0x3800  }
0x7: {  	s21 =	simm.s32 $0x1;
	s4 =	sand.u32 $0x1, s1;
	s5 =	sshll.u32 s0, $0xA  }
0x8: {  	s1 =	rddreg [dreg:$0x2];
	s6 =	sshll.u32 s4, $0x9;
	s4 =	ssub.s32 $0x2, s4  }
0x9: {  	[smem:$0x7FF] =	sst s2;
	s8 =	sor.u32 s6, s5;
	s31 =	sshrl.u32 s4, $0x1  }
0xa: {  	_ =	strace $0x80000047;
	s5 =	sshrl.u32 s8, $0x3;
	s9 =	ssub.s32 s4, s31  }
0xb: {  	s8 =	sshll.u32 s8, $0x2;
	s30 =	sadd.s32 s5, s3;
	s3 =	sadd.s32 $0xF44A00, s3  }
0xc: {  	s7 =	sadd.s32 s7, s8;
	s8 =	smax.u32 s9, $0x1;
	s9 =	simm.s32 $0x2  }
0xd: {  	s4 =	sadd.s32 $0x1E00, s30;
	s5 =	sadd.s32 $0x1600, s30;
	s6 =	sadd.s32 $0xE00, s30  }
.LBB2_1:
0xe: {  	[tilespmem:s2], [sflag:$0x2] =	stream.linear.gather [hbm4b:s4+s2], $0x200, $0x38;
	[tilespmem:$0x4800] =	vst v63  }
0xf: {  	_ =	swait.ge [sflag:s9], $0x200  }
0x10: {  	[sflag:s9] =	ssyncset.done $0x0  }
0x11: {  	[sflag:s9] =	ssyncadd.s32 $0xFFFFFE00  }
0x12: {  	[tilespmem:s10], [sflag:$0x2] =	stream.linear.gather [hbm4b:s5+s2], $0x200, $0x38;
	[tilespmem:$0x4800] =	vst v63  }
0x13: {  	_ =	swait.ge [sflag:s9], $0x200  }
0x14: {  	[sflag:s9] =	ssyncset.done $0x0  }
0x15: {  	[sflag:s9] =	ssyncadd.s32 $0xFFFFFE00  }
0x16: {  	[tilespmem:s11], [sflag:$0x2] =	stream.linear.gather [hbm4b:s6+s2], $0x200, $0x38;
	[tilespmem:$0x4800] =	vst v63  }
0x17: {  	_ =	swait.ge [sflag:s9], $0x200  }
0x18: {  	[sflag:s9] =	ssyncset.done $0x0  }
0x19: {  	[sflag:s9] =	ssyncadd.s32 $0xFFFFFE00  }
0x1a: {  	v0 =	vld [tilespmem:$0x0]  }
0x1b: {  	v1 =	vld [tilespmem:$0x200]  }
0x1c: {  	v2 =	vld [tilespmem:$0x400]  }
0x1d: {  	v3 =	vld [tilespmem:$0x10]  }
0x1e: {  	v4 =	vld [tilespmem:$0x210]  }
0x1f: {  	v5 =	vld [tilespmem:$0x410]  }
0x20: {  	v6 =	vld [tilespmem:$0x20]  }
0x21: {  	v7 =	vld [tilespmem:$0x220]  }
0x22: {  	v8 =	vld [tilespmem:$0x420]  }
0x23: {  	v9 =	vld [tilespmem:$0x30]  }
0x24: {  	v10 =	vld [tilespmem:$0x230]  }
0x25: {  	v11 =	vld [tilespmem:$0x430]  }
0x26: {  	v12 =	vld [tilespmem:$0x40]  }
0x27: {  	v13 =	vld [tilespmem:$0x240]  }
0x28: {  	v14 =	vld [tilespmem:$0x440]  }
0x29: {  	v15 =	vld [tilespmem:$0x50]  }
0x2a: {  	v16 =	vld [tilespmem:$0x250]  }
0x2b: {  	v17 =	vld [tilespmem:$0x450]  }
0x2c: {  	v18 =	vld [tilespmem:$0x60]  }
0x2d: {  	v19 =	vld [tilespmem:$0x260]  }
0x2e: {  	v20 =	vld [tilespmem:$0x460]  }
0x2f: {  	v21 =	vld [tilespmem:$0x70]  }
0x30: {  	v22 =	vld [tilespmem:$0x270]  }
0x31: {  	v23 =	vld [tilespmem:$0x470]  }
0x32: {  	v24 =	vld [tilespmem:$0x80]  }
0x33: {  	v25 =	vld [tilespmem:$0x280]  }
0x34: {  	v26 =	vld [tilespmem:$0x480]  }
0x35: {  	v27 =	vld [tilespmem:$0x90]  }
0x36: {  	v28 =	vld [tilespmem:$0x290]  }
0x37: {  	v29 =	vld [tilespmem:$0x490]  }
0x38: {  	v30 =	vld [tilespmem:$0xA0]  }
0x39: {  	v31 =	vld [tilespmem:$0x2A0]  }
0x3a: {  	v32 =	vld [tilespmem:$0x4A0]  }
0x3b: {  	v33 =	vld [tilespmem:$0xB0]  }
0x3c: {  	v34 =	vld [tilespmem:$0x2B0]  }
0x3d: {  	v35 =	vld [tilespmem:$0x4B0]  }
0x3e: {  	v36 =	vld [tilespmem:$0xC0]  }
0x3f: {  	v37 =	vld [tilespmem:$0x2C0]  }
0x40: {  	v38 =	vld [tilespmem:$0x4C0]  }
0x41: {  	v39 =	vld [tilespmem:$0xD0]  }
0x42: {  	v40 =	vld [tilespmem:$0x2D0]  }
0x43: {  	v41 =	vld [tilespmem:$0x4D0]  }
0x44: {  	v42 =	vld [tilespmem:$0xE0]  }
0x45: {  	v43 =	vld [tilespmem:$0x2E0]  }
0x46: {  	v44 =	vld [tilespmem:$0x4E0]  }
0x47: {  	v45 =	vld [tilespmem:$0xF0]  }
0x48: {  	v46 =	vld [tilespmem:$0x2F0]  }
0x49: {  	v47 =	vld [tilespmem:$0x4F0]  }
0x4a: {  	v48 =	vld [tilespmem:$0x100]  }
0x4b: {  	v49 =	vld [tilespmem:$0x300]  }
0x4c: {  	v50 =	vld [tilespmem:$0x500]  }
0x4d: {  	v51 =	vld [tilespmem:$0x110]  }
0x4e: {  	v52 =	vld [tilespmem:$0x310]  }
0x4f: {  	v53 =	vld [tilespmem:$0x510]  }
0x50: {  	v54 =	vld [tilespmem:$0x120]  }
0x51: {  	v55 =	vld [tilespmem:$0x320]  }
0x52: {  	v56 =	vld [tilespmem:$0x520]  }
0x53: {  	v57 =	vld [tilespmem:$0x130]  }
0x54: {  	v58 =	vld [tilespmem:$0x330];
	v1 =	vmul.u32 $0x64, v1;
	v2 =	vmul.u32 $0x2710, v2  }
0x55: {  	v4 =	vmul.u32 $0x64, v4;
	v59 =	vmul.u32 $0x2710, v5;
	v5 =	vld [tilespmem:$0x530];
	v61 =	vmul.u32 $0x64, v7  }
0x56: {  	v62 =	vmul.u32 $0x2710, v8;
	v63 =	vmul.u32 $0x64, v10;
	v8 =	vld [tilespmem:$0x340];
	v16 =	vmul.u32 $0x64, v16  }
0x57: {  	v25 =	vmul.u32 $0x64, v25;
	v43 =	vmul.u32 $0x64, v43;
	v60 =	vadd.s32 v3, v4;
	v4 =	vld [tilespmem:$0x140]  }
0x58: {  	v44 =	vmul.u32 $0x2710, v44;
	v3 =	vadd.s32 v6, v61;
	v61 =	vadd.s32 v9, v63;
	v9 =	vld [tilespmem:$0x150]  }
0x59: {  	v0 =	vadd.s32 v0, v1;
	v10 =	vadd.s32 v15, v16;
	v16 =	vadd.s32 v24, v25;
	v24 =	vld [tilespmem:$0x370]  }
0x5a: {  	v25 =	vld [tilespmem:$0x380];
	v1 =	vadd.s32 v59, v60;
	v59 =	vmul.u32 $0x2710, v11;
	v60 =	vmul.u32 $0x64, v13  }
0x5b: {  	v15 =	vld [tilespmem:$0x3A0];
	v0 =	vadd.s32 v2, v0;
	v2 =	vadd.s32 v62, v3;
	v62 =	vmul.u32 $0x2710, v14  }
0x5c: {  	v11 =	vld [tilespmem:$0x540];
	v3 =	vadd.s32 v59, v61;
	v63 =	vadd.s32 v12, v60;
	v59 =	vmul.u32 $0x2710, v17  }
0x5d: {  	v14 =	vld [tilespmem:$0x550];
	v60 =	vmul.u32 $0x64, v19;
	v61 =	vmul.u32 $0x2710, v20;
	v5 =	vmul.u32 $0x2710, v5  }
0x5e: {  	v12 =	vld [tilespmem:$0x350];
	v8 =	vmul.u32 $0x64, v8;
	v6 =	vadd.s32 v62, v63;
	v62 =	vmul.u32 $0x64, v22  }
0x5f: {  	v17 =	vld [tilespmem:$0x160];
	v22 =	vmul.u32 $0x2710, v23;
	v7 =	vadd.s32 v59, v10;
	v63 =	vadd.s32 v18, v60  }
0x60: {  	v19 =	vld [tilespmem:$0x560];
	v59 =	vmul.u32 $0x2710, v26;
	v60 =	vmul.u32 $0x64, v28;
	v28 =	vmul.u32 $0x2710, v32  }
0x61: {  	[tilespmem:$0x600] =	vst v0;
	v20 =	vld [tilespmem:$0x570];
	v32 =	vmul.u32 $0x64, v37;
	v37 =	vmul.u32 $0x64, v40;
	v40 =	vmul.u32 $0x2710, v41  }
0x62: {  	[tilespmem:$0x610] =	vst v1;
	v18 =	vld [tilespmem:$0x360];
	v10 =	vadd.s32 v61, v63;
	v23 =	vadd.s32 v21, v62;
	v61 =	vmul.u32 $0x2710, v29  }
0x63: {  	[tilespmem:$0x620] =	vst v2;
	v26 =	vld [tilespmem:$0x390];
	v62 =	vmul.u32 $0x64, v31;
	v31 =	vmul.u32 $0x2710, v35;
	v35 =	vmul.u32 $0x2710, v38  }
0x64: {  	[tilespmem:$0x630] =	vst v3;
	v21 =	vld [tilespmem:$0x170];
	v13 =	vadd.s32 v22, v23;
	v63 =	vadd.s32 v59, v16;
	v27 =	vadd.s32 v27, v60  }
0x65: {  	[tilespmem:$0x640] =	vst v6;
	v23 =	vld [tilespmem:$0x180];
	v38 =	vadd.s32 v36, v32;
	v41 =	vadd.s32 v39, v37;
	v59 =	vmul.u32 $0x64, v46  }
0x66: {  	[tilespmem:$0x650] =	vst v7;
	v16 =	vld [tilespmem:$0x190];
	v60 =	vadd.s32 v42, v43;
	v43 =	vmul.u32 $0x2710, v56;
	v1 =	vadd.s32 v61, v27  }
0x67: {  	[tilespmem:$0x660] =	vst v10;
	v56 =	vld [tilespmem:$0x5C0];
	v29 =	vadd.s32 v30, v62;
	v30 =	vmul.u32 $0x64, v34;
	v6 =	vadd.s32 v35, v38  }
0x68: {  	v22 =	vld [tilespmem:$0x5D0];
	v7 =	vadd.s32 v40, v41;
	[tilespmem:$0x670] =	vst v13;
	v61 =	vmul.u32 $0x2710, v47;
	v62 =	vmul.u32 $0x64, v49  }
0x69: {  	v27 =	vld [tilespmem:$0x580];
	[tilespmem:$0x680] =	vst v63;
	v63 =	vadd.s32 v44, v60;
	v35 =	vmul.u32 $0x2710, v50;
	v38 =	vmul.u32 $0x64, v52  }
0x6a: {  	v40 =	vmul.u32 $0x2710, v53;
	v41 =	vmul.u32 $0x64, v55;
	v44 =	vmul.u32 $0x64, v58;
	v47 =	vld [tilespmem:$0x5B0];
	[tilespmem:$0x690] =	vst v1  }
0x6b: {  	v13 =	vld [tilespmem:$0x1C0];
	v50 =	vmul.u32 $0x2710, v11;
	v53 =	vadd.s32 v4, v8;
	v58 =	vmul.u32 $0x2710, v19;
	[tilespmem:$0x6C0] =	vst v6  }
0x6c: {  	v52 =	vld [tilespmem:$0x3C0];
	v2 =	vadd.s32 v28, v29;
	[tilespmem:$0x6E0] =	vst v63;
	v63 =	vmul.u32 $0x2710, v20;
	v20 =	vmul.u32 $0x64, v25  }
0x6d: {  	v28 =	vld [tilespmem:$0x590];
	[tilespmem:$0x6D0] =	vst v7;
	v34 =	vadd.s32 v33, v30;
	v37 =	vadd.s32 v48, v62;
	v42 =	vadd.s32 v51, v38  }
0x6e: {  	v29 =	vld [tilespmem:$0x5A0];
	[tilespmem:$0x6A0] =	vst v2;
	v46 =	vadd.s32 v54, v41;
	v48 =	vadd.s32 v57, v44;
	v1 =	vadd.s32 v50, v53  }
0x6f: {  	v30 =	vld [tilespmem:$0x1A0];
	v51 =	vmul.u32 $0x64, v12;
	v54 =	vmul.u32 $0x2710, v14;
	v3 =	vadd.s32 v31, v34;
	[tilespmem:$0x740] =	vst v1  }
0x70: {  	v55 =	vmul.u32 $0x64, v18;
	v62 =	vld [tilespmem:$0x3D0];
	v38 =	vmul.u32 $0x64, v15;
	v39 =	vadd.s32 v35, v37;
	[tilespmem:$0x6B0] =	vst v3  }
0x71: {  	v34 =	vadd.s32 v45, v59;
	v31 =	vld [tilespmem:$0x1B0];
	v6 =	vadd.s32 v43, v46;
	v49 =	vadd.s32 v5, v48;
	[tilespmem:$0x700] =	vst v39  }
0x72: {  	v45 =	vld [tilespmem:$0x3B0];
	v36 =	vadd.s32 v61, v34;
	v3 =	vadd.s32 v40, v42;
	v57 =	vadd.s32 v9, v51;
	[tilespmem:$0x720] =	vst v6  }
0x73: {  	v59 =	vld [tilespmem:$0x1D0];
	v60 =	vadd.s32 v17, v55;
	v61 =	vmul.u32 $0x64, v24;
	[tilespmem:$0x730] =	vst v49;
	v34 =	vadd.s32 v23, v20  }
0x74: {  	v46 =	vld [tilespmem:$0x5F0];
	v48 =	vmul.u32 $0x2710, v56;
	v53 =	vmul.u32 $0x2710, v22;
	[tilespmem:$0x6F0] =	vst v36;
	v2 =	vadd.s32 v54, v57  }
0x75: {  	v39 =	vld [tilespmem:$0x5E0];
	[tilespmem:$0x710] =	vst v3;
	v3 =	vadd.s32 v58, v60;
	v25 =	vmul.u32 $0x2710, v27;
	v27 =	vmul.u32 $0x64, v26  }
0x76: {  	v42 =	vld [tilespmem:$0x3F0];
	v44 =	vmul.u32 $0x2710, v47;
	v24 =	vadd.s32 v21, v61;
	v35 =	vmul.u32 $0x2710, v28;
	[tilespmem:$0x750] =	vst v2  }
0x77: {  	v36 =	vld [tilespmem:$0x3E0];
	[tilespmem:$0x760] =	vst v3;
	v40 =	vmul.u32 $0x2710, v29;
	v0 =	vadd.s32 v63, v24;
	v1 =	vadd.s32 v25, v34  }
0x78: {  	v49 =	vld [tilespmem:$0x1F0];
	v37 =	vadd.s32 v16, v27;
	v43 =	vadd.s32 v30, v38;
	v51 =	vmul.u32 $0x64, v62;
	[tilespmem:$0x770] =	vst v0  }
0x79: {  	v32 =	vld [tilespmem:$0x1E0];
	v2 =	vadd.s32 v35, v37;
	v41 =	vmul.u32 $0x64, v45;
	v45 =	vmul.u32 $0x64, v52;
	[tilespmem:$0x780] =	vst v1  }
0x7a: {  	v0 =	vadd.s32 v40, v43;
	v60 =	vmul.u32 $0x2710, v46;
	[tilespmem:$0x790] =	vst v2;
	v55 =	vadd.s32 v59, v51  }
0x7b: {  	[tilespmem:$0x7A0] =	vst v0;
	v57 =	vmul.u32 $0x64, v42;
	v47 =	vadd.s32 v31, v41;
	v58 =	vadd.s32 v53, v55  }
0x7c: {  	v50 =	vadd.s32 v13, v45;
	v54 =	vmul.u32 $0x64, v36;
	v1 =	vadd.s32 v44, v47;
	[tilespmem:$0x7D0] =	vst v58  }
0x7d: {  	v56 =	vmul.u32 $0x2710, v39;
	v52 =	vadd.s32 v48, v50;
	v62 =	vadd.s32 v49, v57;
	[tilespmem:$0x7B0] =	vst v1  }
0x7e: {  	[tilespmem:$0x7C0] =	vst v52;
	v59 =	vadd.s32 v32, v54;
	v63 =	vadd.s32 v60, v62  }
0x7f: {  	v61 =	vadd.s32 v56, v59;
	[tilespmem:$0x7F0] =	vst v63  }
0x80: {  	[tilespmem:$0x7E0] =	vst v61  }
0x81: {  	[tilespmem:s14], [sflag:$0x1] =	stream.indirect.gather [hbm4b:s3+s12], $0x20, s13, s12, $0xb8;
	[tilespmem:$0x4800] =	vst v63  }
0x82: {  	_ = 	snop  }
0x83: {  	[tilespmem:s16], [sflag:$0x1] =	stream.indirect.gather [hbm4b:s3+s12], $0x20, s15, s12, $0xb8;
	[tilespmem:$0x4800] =	vst v63  }
0x84: {  	_ = 	snop  }
0x85: {  	[tilespmem:s18], [sflag:$0x1] =	stream.indirect.gather [hbm4b:s3+s12], $0x20, s17, s12, $0xb8;
	[tilespmem:$0x4800] =	vst v63  }
0x86: {  	_ = 	snop  }
0x87: {  	[tilespmem:s20], [sflag:$0x1] =	stream.indirect.gather [hbm4b:s3+s12], $0x20, s19, s12, $0xb8;
	[tilespmem:$0x4800] =	vst v63  }
0x88: {  	_ =	swait.ge [sflag:s21], $0x1000  }
0x89: {  	[sflag:s21] =	ssyncset.done $0x0  }
0x8a: {  	[sflag:s21] =	ssyncadd.s32 $0xFFFFF000  }
0x8b: {  	_ =	swait.ge [sflag:s21], $0x1000  }
0x8c: {  	[sflag:s21] =	ssyncset.done $0x0  }
0x8d: {  	[sflag:s21] =	ssyncadd.s32 $0xFFFFF000  }
0x8e: {  	_ =	swait.ge [sflag:s21], $0x1000  }
0x8f: {  	[sflag:s21] =	ssyncset.done $0x0  }
0x90: {  	[sflag:s21] =	ssyncadd.s32 $0xFFFFF000  }
0x91: {  	_ =	swait.ge [sflag:s21], $0x1000  }
0x92: {  	p0 =	sne.s32 s8, $0x1;
	[sflag:s21] =	ssyncset.done $0x0  }
.Ltmp0:
0x93: {  	[sflag:s21] =	ssyncadd.s32 $0xFFFFF000;
	(pc) =	sbr.rel @p0 .LBB2_1-.Ltmp0, $4  }
0x94: {  	[hbm4b:s7+s2] =	stream.linear.scatter [tilespmem:s14], [sflag:$0x2], $0x4000, $0x38;
	[tilespmem:$0x4800] =	vst v63  }
0x95: {  	_ =	swait.ge [sflag:s9], $0x4000  }
0x96: {  	[sflag:s9] =	ssyncset.done $0x0  }
0x97: {  	s8 =	sadd.s32 $0xFFFFFFFF, s8;
	[sflag:s9] =	ssyncadd.s32 $0xFFFFC000  }
0x98: {  	_ =	sfence.sel $0x180000  }
0x99: {  	[bflag:$0x0] =	sbarrier.arrive $0xFFFF  }
0x9a: {  	p0 =	sne.s32 s0, $0x0;
	_ =	strace $0x90000047  }
0x9b: {  	s0 =	sadd.s32 @!p0 $0x100000, s1;
	[bflag:$0x2] =	sbarrier.arrive $0xFFFF  }
0x9c: {  	[sflag:s0] =	ssyncadd.tile.s32 @!p0 $0x1;
	_ =	shalt  }
.Lfunc_end2:
_tile_overlayer_lowered:
.L_overlay_start_2:
0x9d: {  	(tag) =	ssettag $0x2  }
0x9e: {  	s0 =	rddreg [dreg:$0x0];
	s2 =	stileid.u32  }
0x9f: {  	s1 =	rddreg [dreg:$0x1];
	p0 =	sne.s32 s2, $0x0  }
0xa0: {  	s3 =	rddreg [dreg:$0x2];
	[bflag:$0x3] =	sbarrier.arrive $0xFFFF;
	s2 =	simm.s32 @!p0 $0x1C02  }
0xa1: {  	[timem:s3], [sflag:s2] =	dma.local @!p0 [hbm:s0], s1  }
0xa2: {  	s0 =	simm.s32 @!p0 $0x2  }
0xa3: {  	_ =	swait.ge @!p0 [sflag:s0], s1  }
0xa4: {  	s1 =	ssub.s32 @!p0 $0x0, s1;
	[sflag:s0] =	ssyncset.done @!p0 $0x0  }
0xa5: {  	[sflag:s0] =	ssyncadd.s32 @!p0 s1  }
0xa6: {  	[bflag:$0x3] =	sbarrier.arrive $0xFFFF  }
0xa7: {  	_ =	shalt  }

</sc_bundles>
